<compile_context>
chip_gen: v7x
topology: tpu7x:2x2x1
jax: 0.10.2.dev20260603
libtpu: 0.0.44.dev20260713+nightly
codegen_flags: <defaults>
</compile_context>

<pallas_src>
import functools

import jax
import jax.numpy as jnp
from jax import lax
from jax.experimental import pallas as pl
from jax.experimental.pallas import tpu as pltpu
from jax.experimental.pallas import tpu_sc as plsc

DIM = 32
NC = 2
NS = 16
NW = NC * NS

IDX_ROW = 128
K = 8
CHUNK = K * IDX_ROW


@functools.lru_cache(maxsize=None)
def _make_gather(n: int):
    assert n % (NW * CHUNK) == 0
    per_w = n // NW
    n_chunks = per_w // CHUNK
    mesh = plsc.VectorSubcoreMesh(core_axis_name="c", subcore_axis_name="s")

    @functools.partial(
        pl.kernel,
        mesh=mesh,
        compiler_params=pltpu.CompilerParams(use_tc_tiling_on_sc=False),
        out_type=(
            jax.ShapeDtypeStruct((n, DIM), jnp.float32),
            jax.ShapeDtypeStruct((n, DIM), jnp.float32),
        ),
        scratch_types=(
            pltpu.VMEM((K, IDX_ROW), jnp.int32),
            pltpu.VMEM((CHUNK, DIM), jnp.float32),
            pltpu.VMEM((CHUNK, DIM), jnp.float32),
            pltpu.SemaphoreType.DMA,
            pltpu.SemaphoreType.DMA,
        ),
    )
    def gather_kernel(idx_hbm, real_hbm, imag_hbm, r_out, i_out,
                      idx_v, r_v, i_v, sem_r, sem_i):
        wid = lax.axis_index("s") * NC + lax.axis_index("c")
        row0 = wid * (per_w // IDX_ROW)

        def body(j, carry):
            base = (row0 + j * K) * IDX_ROW
            pltpu.sync_copy(idx_hbm.at[pl.ds(row0 + j * K, K)], idx_v)
            copies = []
            for t in range(K):
                dst = r_v.at[pl.ds(t * IDX_ROW, IDX_ROW)]
                copies.append(
                    pltpu.async_copy(real_hbm.at[idx_v.at[t]], dst, sem_r))
            for t in range(K):
                dst = i_v.at[pl.ds(t * IDX_ROW, IDX_ROW)]
                copies.append(
                    pltpu.async_copy(imag_hbm.at[idx_v.at[t]], dst, sem_i))
            for c in copies:
                c.wait()
            pltpu.sync_copy(r_v, r_out.at[pl.ds(base, CHUNK)])
            pltpu.sync_copy(i_v, i_out.at[pl.ds(base, CHUNK)])
            return carry

        lax.fori_loop(0, n_chunks, body, 0)

    return gather_kernel


def kernel(input_ids, real, imag):
    b, l = input_ids.shape
    n = b * l
    idx = input_ids.reshape(n // IDX_ROW, IDX_ROW).astype(jnp.int32)
    r, i = _make_gather(n)(idx, real, imag)
    return lax.complex(r, i).reshape(b, l, DIM)

# --- scband reference (transcript-rebuilt; emitter-appended) ---
"""Pipeline reference for scband-complex-embedding-9019431322188 (READ-ONLY COPY).

The authoritative reference and input builder live on the scoring server;
editing this copy changes nothing except your own understanding.
"""

import jax, jax.numpy as jnp
import numpy as np

VOCAB = 1000000
DIM = 32
B = 16384
L = 50

def setup_inputs(seed: int = 0) -> dict:
    key = jax.random.key(seed)
    k1, k2, k3 = jax.random.split(key, 3)
    input_ids = jax.random.randint(k1, (B, L), 0, VOCAB)
    real = jax.random.normal(k2, (VOCAB, DIM), dtype=jnp.float32)
    imag = jax.random.normal(k3, (VOCAB, DIM), dtype=jnp.float32)
    return {"input_ids": input_ids, "real": real, "imag": imag}

def reference(input_ids, real, imag):
    r = jnp.take(real, input_ids, axis=0)
    i = jnp.take(imag, input_ids, axis=0)
    return jax.lax.complex(r, i)

if __name__ == "__main__":
    import jax
    _d = setup_inputs()
    print(jax.jit(kernel)(*tuple(_d.values())))

</pallas_src>

<mosaic_0001>
#map = affine_map<(d0, d1) -> (0, 0)>
module attributes {stable_mosaic.version = 14 : i64} {
  func.func @gather_kernel(%arg0: i32, %arg1: i32, %arg2: memref<6400x128xi32, #tpu.memory_space<hbm>>, %arg3: memref<1000000x32xf32, #tpu.memory_space<hbm>>, %arg4: memref<1000000x32xf32, #tpu.memory_space<hbm>>, %arg5: memref<819200x32xf32, #tpu.memory_space<hbm>>, %arg6: memref<819200x32xf32, #tpu.memory_space<hbm>>, %arg7: memref<8x128xi32, #tpu.memory_space<vmem>>, %arg8: memref<1024x32xf32, #tpu.memory_space<vmem>>, %arg9: memref<1024x32xf32, #tpu.memory_space<vmem>>, %arg10: memref<!tpu.dma_semaphore, #tpu.memory_space<semaphore_mem>>, %arg11: memref<!tpu.dma_semaphore, #tpu.memory_space<semaphore_mem>>) attributes {dimension_semantics = [#tpu.dimension_semantics<core_parallel>, #tpu.dimension_semantics<subcore_parallel>], iteration_bounds = array<i64: 2, 16>, scalar_prefetch = 0 : i64, scratch_operands = 5 : i64, tpu.core_type = #tpu.core_type<sc_vector_subcore>, window_params = [{transform_indices = #map}, {transform_indices = #map}, {transform_indices = #map}, {transform_indices = #map}, {transform_indices = #map}]} {
    %mul3A = arith.constant 2 : i32
    %mul3A_0 = arith.muli %arg1, %mul3A : i32
    %add3A = arith.addi %mul3A_0, %arg0 : i32
    %mul3A_1 = arith.constant 200 : i32
    %mul3A_2 = arith.muli %add3A, %mul3A_1 : i32
    %scan3A = arith.constant 0 : i32
    %scan3A_3 = arith.constant 0 : i32
    %scan3A_4 = arith.constant 25 : i32
    %scan3A_5 = arith.addi %scan3A_3, %scan3A_4 : i32
    %scan3A_6 = arith.constant 1 : i32
    scf.for %scan3A_8 = %scan3A_3 to %scan3A_5 step %scan3A_6  : i32 {
      %mul3A_9 = arith.constant 8 : i32
      %mul3A_10 = arith.muli %scan3A_8, %mul3A_9 : i32
      %add3A_11 = arith.addi %mul3A_2, %mul3A_10 : i32
      %mul3A_12 = arith.constant 128 : i32
      %mul3A_13 = arith.muli %add3A_11, %mul3A_12 : i32
      %mul3A_14 = arith.constant 8 : i32
      %mul3A_15 = arith.muli %scan3A_8, %mul3A_14 : i32
      %add3A_16 = arith.addi %mul3A_2, %mul3A_15 : i32
      "tpu.region"() ({
        %run_scoped3A = tpu.sem_alloc : memref<!tpu.dma_semaphore, #tpu.memory_space<semaphore_mem>>
        %dma_start3A_335 = arith.constant 0 : i32
        %dma_start3A_336 = tpu.memref_slice %arg2[%add3A_16, %dma_start3A_335] : memref<6400x128xi32, #tpu.memory_space<hbm>> -> memref<8x128xi32, #tpu.memory_space<hbm>>
        %dma_start3A_337 = arith.constant 0 : i32
        %dma_start3A_338 = tpu.memref_slice %arg2[%add3A_16, %dma_start3A_337] : memref<6400x128xi32, #tpu.memory_space<hbm>> -> memref<8x128xi32, #tpu.memory_space<hbm>>
        tpu.enqueue_dma source(%dma_start3A_338 : memref<8x128xi32, #tpu.memory_space<hbm>>) target(%arg7 : memref<8x128xi32, #tpu.memory_space<vmem>>) target_semaphore(%run_scoped3A : memref<!tpu.dma_semaphore, #tpu.memory_space<semaphore_mem>>)
        %dma_wait3A_339 = arith.constant 0 : i32
        %dma_wait3A_340 = tpu.memref_slice %arg2[%add3A_16, %dma_wait3A_339] : memref<6400x128xi32, #tpu.memory_space<hbm>> -> memref<8x128xi32, #tpu.memory_space<hbm>>
        %dma_wait3A_341 = arith.constant 0 : i32
        %dma_wait3A_342 = tpu.memref_slice %arg2[%add3A_16, %dma_wait3A_341] : memref<6400x128xi32, #tpu.memory_space<hbm>> -> memref<8x128xi32, #tpu.memory_space<hbm>>
        tpu.wait_dma2 semaphore(%run_scoped3A : memref<!tpu.dma_semaphore, #tpu.memory_space<semaphore_mem>>) src(%dma_wait3A_342 : memref<8x128xi32, #tpu.memory_space<hbm>>) dst(%arg7 : memref<8x128xi32, #tpu.memory_space<vmem>>)
        tpu.yield
      }) : () -> ()
      %dma_start3A = arith.constant 0 : i32
      %dma_start3A_17 = arith.constant 0 : i32
      %dma_start3A_18 = arith.constant 0 : i32
      %dma_start3A_19 = tpu.memref_slice %arg8[%dma_start3A_17, %dma_start3A_18] : memref<1024x32xf32, #tpu.memory_space<vmem>> -> memref<128x32xf32, #tpu.memory_space<vmem>>
      %dma_start3A_20 = arith.constant 0 : i32
      %dma_start3A_21 = tpu.memref_slice %arg7[%dma_start3A, %dma_start3A_20] : memref<8x128xi32, #tpu.memory_space<vmem>> -> memref<1x128xi32, #tpu.memory_space<vmem>>
      %dma_start3A_22 = tpu.memref_squeeze %dma_start3A_21 : memref<1x128xi32, #tpu.memory_space<vmem>> -> memref<128xi32, #tpu.memory_space<vmem>>
      %dma_start3A_23 = arith.constant 0 : i32
      %dma_start3A_24 = arith.constant 0 : i32
      %dma_start3A_25 = tpu.memref_slice %arg3[%dma_start3A_23, %dma_start3A_24] : memref<1000000x32xf32, #tpu.memory_space<hbm>> -> memref<1000000x32xf32, #tpu.memory_space<hbm>>
      tpu.enqueue_indirect_dma source(%dma_start3A_25 : memref<1000000x32xf32, #tpu.memory_space<hbm>>) target(%dma_start3A_19 : memref<128x32xf32, #tpu.memory_space<vmem>>) offsets(%dma_start3A_22 : memref<128xi32, #tpu.memory_space<vmem>>) semaphore(%arg10 : memref<!tpu.dma_semaphore, #tpu.memory_space<semaphore_mem>>)
      %dma_start3A_26 = arith.constant 1 : i32
      %dma_start3A_27 = arith.constant 128 : i32
      %dma_start3A_28 = arith.constant 0 : i32
      %dma_start3A_29 = tpu.memref_slice %arg8[%dma_start3A_27, %dma_start3A_28] : memref<1024x32xf32, #tpu.memory_space<vmem>> -> memref<128x32xf32, #tpu.memory_space<vmem>>
      %dma_start3A_30 = arith.constant 0 : i32
      %dma_start3A_31 = tpu.memref_slice %arg7[%dma_start3A_26, %dma_start3A_30] : memref<8x128xi32, #tpu.memory_space<vmem>> -> memref<1x128xi32, #tpu.memory_space<vmem>>
      %dma_start3A_32 = tpu.memref_squeeze %dma_start3A_31 : memref<1x128xi32, #tpu.memory_space<vmem>> -> memref<128xi32, #tpu.memory_space<vmem>>
      %dma_start3A_33 = arith.constant 0 : i32
      %dma_start3A_34 = arith.constant 0 : i32
      %dma_start3A_35 = tpu.memref_slice %arg3[%dma_start3A_33, %dma_start3A_34] : memref<1000000x32xf32, #tpu.memory_space<hbm>> -> memref<1000000x32xf32, #tpu.memory_space<hbm>>
      tpu.enqueue_indirect_dma source(%dma_start3A_35 : memref<1000000x32xf32, #tpu.memory_space<hbm>>) target(%dma_start3A_29 : memref<128x32xf32, #tpu.memory_space<vmem>>) offsets(%dma_start3A_32 : memref<128xi32, #tpu.memory_space<vmem>>) semaphore(%arg10 : memref<!tpu.dma_semaphore, #tpu.memory_space<semaphore_mem>>)
      %dma_start3A_36 = arith.constant 2 : i32
      %dma_start3A_37 = arith.constant 256 : i32
      %dma_start3A_38 = arith.constant 0 : i32
      %dma_start3A_39 = tpu.memref_slice %arg8[%dma_start3A_37, %dma_start3A_38] : memref<1024x32xf32, #tpu.memory_space<vmem>> -> memref<128x32xf32, #tpu.memory_space<vmem>>
      %dma_start3A_40 = arith.constant 0 : i32
      %dma_start3A_41 = tpu.memref_slice %arg7[%dma_start3A_36, %dma_start3A_40] : memref<8x128xi32, #tpu.memory_space<vmem>> -> memref<1x128xi32, #tpu.memory_space<vmem>>
      %dma_start3A_42 = tpu.memref_squeeze %dma_start3A_41 : memref<1x128xi32, #tpu.memory_space<vmem>> -> memref<128xi32, #tpu.memory_space<vmem>>
      %dma_start3A_43 = arith.constant 0 : i32
      %dma_start3A_44 = arith.constant 0 : i32
      %dma_start3A_45 = tpu.memref_slice %arg3[%dma_start3A_43, %dma_start3A_44] : memref<1000000x32xf32, #tpu.memory_space<hbm>> -> memref<1000000x32xf32, #tpu.memory_space<hbm>>
      tpu.enqueue_indirect_dma source(%dma_start3A_45 : memref<1000000x32xf32, #tpu.memory_space<hbm>>) target(%dma_start3A_39 : memref<128x32xf32, #tpu.memory_space<vmem>>) offsets(%dma_start3A_42 : memref<128xi32, #tpu.memory_space<vmem>>) semaphore(%arg10 : memref<!tpu.dma_semaphore, #tpu.memory_space<semaphore_mem>>)
      %dma_start3A_46 = arith.constant 3 : i32
      %dma_start3A_47 = arith.constant 384 : i32
      %dma_start3A_48 = arith.constant 0 : i32
      %dma_start3A_49 = tpu.memref_slice %arg8[%dma_start3A_47, %dma_start3A_48] : memref<1024x32xf32, #tpu.memory_space<vmem>> -> memref<128x32xf32, #tpu.memory_space<vmem>>
      %dma_start3A_50 = arith.constant 0 : i32
      %dma_start3A_51 = tpu.memref_slice %arg7[%dma_start3A_46, %dma_start3A_50] : memref<8x128xi32, #tpu.memory_space<vmem>> -> memref<1x128xi32, #tpu.memory_space<vmem>>
      %dma_start3A_52 = tpu.memref_squeeze %dma_start3A_51 : memref<1x128xi32, #tpu.memory_space<vmem>> -> memref<128xi32, #tpu.memory_space<vmem>>
      %dma_start3A_53 = arith.constant 0 : i32
      %dma_start3A_54 = arith.constant 0 : i32
      %dma_start3A_55 = tpu.memref_slice %arg3[%dma_start3A_53, %dma_start3A_54] : memref<1000000x32xf32, #tpu.memory_space<hbm>> -> memref<1000000x32xf32, #tpu.memory_space<hbm>>
      tpu.enqueue_indirect_dma source(%dma_start3A_55 : memref<1000000x32xf32, #tpu.memory_space<hbm>>) target(%dma_start3A_49 : memref<128x32xf32, #tpu.memory_space<vmem>>) offsets(%dma_start3A_52 : memref<128xi32, #tpu.memory_space<vmem>>) semaphore(%arg10 : memref<!tpu.dma_semaphore, #tpu.memory_space<semaphore_mem>>)
      %dma_start3A_56 = arith.constant 4 : i32
      %dma_start3A_57 = arith.constant 512 : i32
      %dma_start3A_58 = arith.constant 0 : i32
      %dma_start3A_59 = tpu.memref_slice %arg8[%dma_start3A_57, %dma_start3A_58] : memref<1024x32xf32, #tpu.memory_space<vmem>> -> memref<128x32xf32, #tpu.memory_space<vmem>>
      %dma_start3A_60 = arith.constant 0 : i32
      %dma_start3A_61 = tpu.memref_slice %arg7[%dma_start3A_56, %dma_start3A_60] : memref<8x128xi32, #tpu.memory_space<vmem>> -> memref<1x128xi32, #tpu.memory_space<vmem>>
      %dma_start3A_62 = tpu.memref_squeeze %dma_start3A_61 : memref<1x128xi32, #tpu.memory_space<vmem>> -> memref<128xi32, #tpu.memory_space<vmem>>
      %dma_start3A_63 = arith.constant 0 : i32
      %dma_start3A_64 = arith.constant 0 : i32
      %dma_start3A_65 = tpu.memref_slice %arg3[%dma_start3A_63, %dma_start3A_64] : memref<1000000x32xf32, #tpu.memory_space<hbm>> -> memref<1000000x32xf32, #tpu.memory_space<hbm>>
      tpu.enqueue_indirect_dma source(%dma_start3A_65 : memref<1000000x32xf32, #tpu.memory_space<hbm>>) target(%dma_start3A_59 : memref<128x32xf32, #tpu.memory_space<vmem>>) offsets(%dma_start3A_62 : memref<128xi32, #tpu.memory_space<vmem>>) semaphore(%arg10 : memref<!tpu.dma_semaphore, #tpu.memory_space<semaphore_mem>>)
      %dma_start3A_66 = arith.constant 5 : i32
      %dma_start3A_67 = arith.constant 640 : i32
      %dma_start3A_68 = arith.constant 0 : i32
      %dma_start3A_69 = tpu.memref_slice %arg8[%dma_start3A_67, %dma_start3A_68] : memref<1024x32xf32, #tpu.memory_space<vmem>> -> memref<128x32xf32, #tpu.memory_space<vmem>>
      %dma_start3A_70 = arith.constant 0 : i32
      %dma_start3A_71 = tpu.memref_slice %arg7[%dma_start3A_66, %dma_start3A_70] : memref<8x128xi32, #tpu.memory_space<vmem>> -> memref<1x128xi32, #tpu.memory_space<vmem>>
      %dma_start3A_72 = tpu.memref_squeeze %dma_start3A_71 : memref<1x128xi32, #tpu.memory_space<vmem>> -> memref<128xi32, #tpu.memory_space<vmem>>
      %dma_start3A_73 = arith.constant 0 : i32
      %dma_start3A_74 = arith.constant 0 : i32
      %dma_start3A_75 = tpu.memref_slice %arg3[%dma_start3A_73, %dma_start3A_74] : memref<1000000x32xf32, #tpu.memory_space<hbm>> -> memref<1000000x32xf32, #tpu.memory_space<hbm>>
      tpu.enqueue_indirect_dma source(%dma_start3A_75 : memref<1000000x32xf32, #tpu.memory_space<hbm>>) target(%dma_start3A_69 : memref<128x32xf32, #tpu.memory_space<vmem>>) offsets(%dma_start3A_72 : memref<128xi32, #tpu.memory_space<vmem>>) semaphore(%arg10 : memref<!tpu.dma_semaphore, #tpu.memory_space<semaphore_mem>>)
      %dma_start3A_76 = arith.constant 6 : i32
      %dma_start3A_77 = arith.constant 768 : i32
      %dma_start3A_78 = arith.constant 0 : i32
      %dma_start3A_79 = tpu.memref_slice %arg8[%dma_start3A_77, %dma_start3A_78] : memref<1024x32xf32, #tpu.memory_space<vmem>> -> memref<128x32xf32, #tpu.memory_space<vmem>>
      %dma_start3A_80 = arith.constant 0 : i32
      %dma_start3A_81 = tpu.memref_slice %arg7[%dma_start3A_76, %dma_start3A_80] : memref<8x128xi32, #tpu.memory_space<vmem>> -> memref<1x128xi32, #tpu.memory_space<vmem>>
      %dma_start3A_82 = tpu.memref_squeeze %dma_start3A_81 : memref<1x128xi32, #tpu.memory_space<vmem>> -> memref<128xi32, #tpu.memory_space<vmem>>
      %dma_start3A_83 = arith.constant 0 : i32
      %dma_start3A_84 = arith.constant 0 : i32
      %dma_start3A_85 = tpu.memref_slice %arg3[%dma_start3A_83, %dma_start3A_84] : memref<1000000x32xf32, #tpu.memory_space<hbm>> -> memref<1000000x32xf32, #tpu.memory_space<hbm>>
      tpu.enqueue_indirect_dma source(%dma_start3A_85 : memref<1000000x32xf32, #tpu.memory_space<hbm>>) target(%dma_start3A_79 : memref<128x32xf32, #tpu.memory_space<vmem>>) offsets(%dma_start3A_82 : memref<128xi32, #tpu.memory_space<vmem>>) semaphore(%arg10 : memref<!tpu.dma_semaphore, #tpu.memory_space<semaphore_mem>>)
      %dma_start3A_86 = arith.constant 7 : i32
      %dma_start3A_87 = arith.constant 896 : i32
      %dma_start3A_88 = arith.constant 0 : i32
      %dma_start3A_89 = tpu.memref_slice %arg8[%dma_start3A_87, %dma_start3A_88] : memref<1024x32xf32, #tpu.memory_space<vmem>> -> memref<128x32xf32, #tpu.memory_space<vmem>>
      %dma_start3A_90 = arith.constant 0 : i32
      %dma_start3A_91 = tpu.memref_slice %arg7[%dma_start3A_86, %dma_start3A_90] : memref<8x128xi32, #tpu.memory_space<vmem>> -> memref<1x128xi32, #tpu.memory_space<vmem>>
      %dma_start3A_92 = tpu.memref_squeeze %dma_start3A_91 : memref<1x128xi32, #tpu.memory_space<vmem>> -> memref<128xi32, #tpu.memory_space<vmem>>
      %dma_start3A_93 = arith.constant 0 : i32
      %dma_start3A_94 = arith.constant 0 : i32
      %dma_start3A_95 = tpu.memref_slice %arg3[%dma_start3A_93, %dma_start3A_94] : memref<1000000x32xf32, #tpu.memory_space<hbm>> -> memref<1000000x32xf32, #tpu.memory_space<hbm>>
      tpu.enqueue_indirect_dma source(%dma_start3A_95 : memref<1000000x32xf32, #tpu.memory_space<hbm>>) target(%dma_start3A_89 : memref<128x32xf32, #tpu.memory_space<vmem>>) offsets(%dma_start3A_92 : memref<128xi32, #tpu.memory_space<vmem>>) semaphore(%arg10 : memref<!tpu.dma_semaphore, #tpu.memory_space<semaphore_mem>>)
      %dma_start3A_96 = arith.constant 0 : i32
      %dma_start3A_97 = arith.constant 0 : i32
      %dma_start3A_98 = arith.constant 0 : i32
      %dma_start3A_99 = tpu.memref_slice %arg9[%dma_start3A_97, %dma_start3A_98] : memref<1024x32xf32, #tpu.memory_space<vmem>> -> memref<128x32xf32, #tpu.memory_space<vmem>>
      %dma_start3A_100 = arith.constant 0 : i32
      %dma_start3A_101 = tpu.memref_slice %arg7[%dma_start3A_96, %dma_start3A_100] : memref<8x128xi32, #tpu.memory_space<vmem>> -> memref<1x128xi32, #tpu.memory_space<vmem>>
      %dma_start3A_102 = tpu.memref_squeeze %dma_start3A_101 : memref<1x128xi32, #tpu.memory_space<vmem>> -> memref<128xi32, #tpu.memory_space<vmem>>
      %dma_start3A_103 = arith.constant 0 : i32
      %dma_start3A_104 = arith.constant 0 : i32
      %dma_start3A_105 = tpu.memref_slice %arg4[%dma_start3A_103, %dma_start3A_104] : memref<1000000x32xf32, #tpu.memory_space<hbm>> -> memref<1000000x32xf32, #tpu.memory_space<hbm>>
      tpu.enqueue_indirect_dma source(%dma_start3A_105 : memref<1000000x32xf32, #tpu.memory_space<hbm>>) target(%dma_start3A_99 : memref<128x32xf32, #tpu.memory_space<vmem>>) offsets(%dma_start3A_102 : memref<128xi32, #tpu.memory_space<vmem>>) semaphore(%arg11 : memref<!tpu.dma_semaphore, #tpu.memory_space<semaphore_mem>>)
      %dma_start3A_106 = arith.constant 1 : i32
      %dma_start3A_107 = arith.constant 128 : i32
      %dma_start3A_108 = arith.constant 0 : i32
      %dma_start3A_109 = tpu.memref_slice %arg9[%dma_start3A_107, %dma_start3A_108] : memref<1024x32xf32, #tpu.memory_space<vmem>> -> memref<128x32xf32, #tpu.memory_space<vmem>>
      %dma_start3A_110 = arith.constant 0 : i32
      %dma_start3A_111 = tpu.memref_slice %arg7[%dma_start3A_106, %dma_start3A_110] : memref<8x128xi32, #tpu.memory_space<vmem>> -> memref<1x128xi32, #tpu.memory_space<vmem>>
      %dma_start3A_112 = tpu.memref_squeeze %dma_start3A_111 : memref<1x128xi32, #tpu.memory_space<vmem>> -> memref<128xi32, #tpu.memory_space<vmem>>
      %dma_start3A_113 = arith.constant 0 : i32
      %dma_start3A_114 = arith.constant 0 : i32
      %dma_start3A_115 = tpu.memref_slice %arg4[%dma_start3A_113, %dma_start3A_114] : memref<1000000x32xf32, #tpu.memory_space<hbm>> -> memref<1000000x32xf32, #tpu.memory_space<hbm>>
      tpu.enqueue_indirect_dma source(%dma_start3A_115 : memref<1000000x32xf32, #tpu.memory_space<hbm>>) target(%dma_start3A_109 : memref<128x32xf32, #tpu.memory_space<vmem>>) offsets(%dma_start3A_112 : memref<128xi32, #tpu.memory_space<vmem>>) semaphore(%arg11 : memref<!tpu.dma_semaphore, #tpu.memory_space<semaphore_mem>>)
      %dma_start3A_116 = arith.constant 2 : i32
      %dma_start3A_117 = arith.constant 256 : i32
      %dma_start3A_118 = arith.constant 0 : i32
      %dma_start3A_119 = tpu.memref_slice %arg9[%dma_start3A_117, %dma_start3A_118] : memref<1024x32xf32, #tpu.memory_space<vmem>> -> memref<128x32xf32, #tpu.memory_space<vmem>>
      %dma_start3A_120 = arith.constant 0 : i32
      %dma_start3A_121 = tpu.memref_slice %arg7[%dma_start3A_116, %dma_start3A_120] : memref<8x128xi32, #tpu.memory_space<vmem>> -> memref<1x128xi32, #tpu.memory_space<vmem>>
      %dma_start3A_122 = tpu.memref_squeeze %dma_start3A_121 : memref<1x128xi32, #tpu.memory_space<vmem>> -> memref<128xi32, #tpu.memory_space<vmem>>
      %dma_start3A_123 = arith.constant 0 : i32
      %dma_start3A_124 = arith.constant 0 : i32
      %dma_start3A_125 = tpu.memref_slice %arg4[%dma_start3A_123, %dma_start3A_124] : memref<1000000x32xf32, #tpu.memory_space<hbm>> -> memref<1000000x32xf32, #tpu.memory_space<hbm>>
      tpu.enqueue_indirect_dma source(%dma_start3A_125 : memref<1000000x32xf32, #tpu.memory_space<hbm>>) target(%dma_start3A_119 : memref<128x32xf32, #tpu.memory_space<vmem>>) offsets(%dma_start3A_122 : memref<128xi32, #tpu.memory_space<vmem>>) semaphore(%arg11 : memref<!tpu.dma_semaphore, #tpu.memory_space<semaphore_mem>>)
      %dma_start3A_126 = arith.constant 3 : i32
      %dma_start3A_127 = arith.constant 384 : i32
      %dma_start3A_128 = arith.constant 0 : i32
      %dma_start3A_129 = tpu.memref_slice %arg9[%dma_start3A_127, %dma_start3A_128] : memref<1024x32xf32, #tpu.memory_space<vmem>> -> memref<128x32xf32, #tpu.memory_space<vmem>>
      %dma_start3A_130 = arith.constant 0 : i32
      %dma_start3A_131 = tpu.memref_slice %arg7[%dma_start3A_126, %dma_start3A_130] : memref<8x128xi32, #tpu.memory_space<vmem>> -> memref<1x128xi32, #tpu.memory_space<vmem>>
      %dma_start3A_132 = tpu.memref_squeeze %dma_start3A_131 : memref<1x128xi32, #tpu.memory_space<vmem>> -> memref<128xi32, #tpu.memory_space<vmem>>
      %dma_start3A_133 = arith.constant 0 : i32
      %dma_start3A_134 = arith.constant 0 : i32
      %dma_start3A_135 = tpu.memref_slice %arg4[%dma_start3A_133, %dma_start3A_134] : memref<1000000x32xf32, #tpu.memory_space<hbm>> -> memref<1000000x32xf32, #tpu.memory_space<hbm>>
      tpu.enqueue_indirect_dma source(%dma_start3A_135 : memref<1000000x32xf32, #tpu.memory_space<hbm>>) target(%dma_start3A_129 : memref<128x32xf32, #tpu.memory_space<vmem>>) offsets(%dma_start3A_132 : memref<128xi32, #tpu.memory_space<vmem>>) semaphore(%arg11 : memref<!tpu.dma_semaphore, #tpu.memory_space<semaphore_mem>>)
      %dma_start3A_136 = arith.constant 4 : i32
      %dma_start3A_137 = arith.constant 512 : i32
      %dma_start3A_138 = arith.constant 0 : i32
      %dma_start3A_139 = tpu.memref_slice %arg9[%dma_start3A_137, %dma_start3A_138] : memref<1024x32xf32, #tpu.memory_space<vmem>> -> memref<128x32xf32, #tpu.memory_space<vmem>>
      %dma_start3A_140 = arith.constant 0 : i32
      %dma_start3A_141 = tpu.memref_slice %arg7[%dma_start3A_136, %dma_start3A_140] : memref<8x128xi32, #tpu.memory_space<vmem>> -> memref<1x128xi32, #tpu.memory_space<vmem>>
      %dma_start3A_142 = tpu.memref_squeeze %dma_start3A_141 : memref<1x128xi32, #tpu.memory_space<vmem>> -> memref<128xi32, #tpu.memory_space<vmem>>
      %dma_start3A_143 = arith.constant 0 : i32
      %dma_start3A_144 = arith.constant 0 : i32
      %dma_start3A_145 = tpu.memref_slice %arg4[%dma_start3A_143, %dma_start3A_144] : memref<1000000x32xf32, #tpu.memory_space<hbm>> -> memref<1000000x32xf32, #tpu.memory_space<hbm>>
      tpu.enqueue_indirect_dma source(%dma_start3A_145 : memref<1000000x32xf32, #tpu.memory_space<hbm>>) target(%dma_start3A_139 : memref<128x32xf32, #tpu.memory_space<vmem>>) offsets(%dma_start3A_142 : memref<128xi32, #tpu.memory_space<vmem>>) semaphore(%arg11 : memref<!tpu.dma_semaphore, #tpu.memory_space<semaphore_mem>>)
      %dma_start3A_146 = arith.constant 5 : i32
      %dma_start3A_147 = arith.constant 640 : i32
      %dma_start3A_148 = arith.constant 0 : i32
      %dma_start3A_149 = tpu.memref_slice %arg9[%dma_start3A_147, %dma_start3A_148] : memref<1024x32xf32, #tpu.memory_space<vmem>> -> memref<128x32xf32, #tpu.memory_space<vmem>>
      %dma_start3A_150 = arith.constant 0 : i32
      %dma_start3A_151 = tpu.memref_slice %arg7[%dma_start3A_146, %dma_start3A_150] : memref<8x128xi32, #tpu.memory_space<vmem>> -> memref<1x128xi32, #tpu.memory_space<vmem>>
      %dma_start3A_152 = tpu.memref_squeeze %dma_start3A_151 : memref<1x128xi32, #tpu.memory_space<vmem>> -> memref<128xi32, #tpu.memory_space<vmem>>
      %dma_start3A_153 = arith.constant 0 : i32
      %dma_start3A_154 = arith.constant 0 : i32
      %dma_start3A_155 = tpu.memref_slice %arg4[%dma_start3A_153, %dma_start3A_154] : memref<1000000x32xf32, #tpu.memory_space<hbm>> -> memref<1000000x32xf32, #tpu.memory_space<hbm>>
      tpu.enqueue_indirect_dma source(%dma_start3A_155 : memref<1000000x32xf32, #tpu.memory_space<hbm>>) target(%dma_start3A_149 : memref<128x32xf32, #tpu.memory_space<vmem>>) offsets(%dma_start3A_152 : memref<128xi32, #tpu.memory_space<vmem>>) semaphore(%arg11 : memref<!tpu.dma_semaphore, #tpu.memory_space<semaphore_mem>>)
      %dma_start3A_156 = arith.constant 6 : i32
      %dma_start3A_157 = arith.constant 768 : i32
      %dma_start3A_158 = arith.constant 0 : i32
      %dma_start3A_159 = tpu.memref_slice %arg9[%dma_start3A_157, %dma_start3A_158] : memref<1024x32xf32, #tpu.memory_space<vmem>> -> memref<128x32xf32, #tpu.memory_space<vmem>>
      %dma_start3A_160 = arith.constant 0 : i32
      %dma_start3A_161 = tpu.memref_slice %arg7[%dma_start3A_156, %dma_start3A_160] : memref<8x128xi32, #tpu.memory_space<vmem>> -> memref<1x128xi32, #tpu.memory_space<vmem>>
      %dma_start3A_162 = tpu.memref_squeeze %dma_start3A_161 : memref<1x128xi32, #tpu.memory_space<vmem>> -> memref<128xi32, #tpu.memory_space<vmem>>
      %dma_start3A_163 = arith.constant 0 : i32
      %dma_start3A_164 = arith.constant 0 : i32
      %dma_start3A_165 = tpu.memref_slice %arg4[%dma_start3A_163, %dma_start3A_164] : memref<1000000x32xf32, #tpu.memory_space<hbm>> -> memref<1000000x32xf32, #tpu.memory_space<hbm>>
      tpu.enqueue_indirect_dma source(%dma_start3A_165 : memref<1000000x32xf32, #tpu.memory_space<hbm>>) target(%dma_start3A_159 : memref<128x32xf32, #tpu.memory_space<vmem>>) offsets(%dma_start3A_162 : memref<128xi32, #tpu.memory_space<vmem>>) semaphore(%arg11 : memref<!tpu.dma_semaphore, #tpu.memory_space<semaphore_mem>>)
      %dma_start3A_166 = arith.constant 7 : i32
      %dma_start3A_167 = arith.constant 896 : i32
      %dma_start3A_168 = arith.constant 0 : i32
      %dma_start3A_169 = tpu.memref_slice %arg9[%dma_start3A_167, %dma_start3A_168] : memref<1024x32xf32, #tpu.memory_space<vmem>> -> memref<128x32xf32, #tpu.memory_space<vmem>>
      %dma_start3A_170 = arith.constant 0 : i32
      %dma_start3A_171 = tpu.memref_slice %arg7[%dma_start3A_166, %dma_start3A_170] : memref<8x128xi32, #tpu.memory_space<vmem>> -> memref<1x128xi32, #tpu.memory_space<vmem>>
      %dma_start3A_172 = tpu.memref_squeeze %dma_start3A_171 : memref<1x128xi32, #tpu.memory_space<vmem>> -> memref<128xi32, #tpu.memory_space<vmem>>
      %dma_start3A_173 = arith.constant 0 : i32
      %dma_start3A_174 = arith.constant 0 : i32
      %dma_start3A_175 = tpu.memref_slice %arg4[%dma_start3A_173, %dma_start3A_174] : memref<1000000x32xf32, #tpu.memory_space<hbm>> -> memref<1000000x32xf32, #tpu.memory_space<hbm>>
      tpu.enqueue_indirect_dma source(%dma_start3A_175 : memref<1000000x32xf32, #tpu.memory_space<hbm>>) target(%dma_start3A_169 : memref<128x32xf32, #tpu.memory_space<vmem>>) offsets(%dma_start3A_172 : memref<128xi32, #tpu.memory_space<vmem>>) semaphore(%arg11 : memref<!tpu.dma_semaphore, #tpu.memory_space<semaphore_mem>>)
      %dma_wait3A = arith.constant 0 : i32
      %dma_wait3A_176 = arith.constant 0 : i32
      %dma_wait3A_177 = arith.constant 0 : i32
      %dma_wait3A_178 = tpu.memref_slice %arg8[%dma_wait3A_176, %dma_wait3A_177] : memref<1024x32xf32, #tpu.memory_space<vmem>> -> memref<128x32xf32, #tpu.memory_space<vmem>>
      %dma_wait3A_179 = arith.constant 0 : i32
      %dma_wait3A_180 = tpu.memref_slice %arg7[%dma_wait3A, %dma_wait3A_179] : memref<8x128xi32, #tpu.memory_space<vmem>> -> memref<1x128xi32, #tpu.memory_space<vmem>>
      %dma_wait3A_181 = tpu.memref_squeeze %dma_wait3A_180 : memref<1x128xi32, #tpu.memory_space<vmem>> -> memref<128xi32, #tpu.memory_space<vmem>>
      %dma_wait3A_182 = arith.constant 0 : i32
      %dma_wait3A_183 = arith.constant 0 : i32
      %dma_wait3A_184 = tpu.memref_slice %arg3[%dma_wait3A_182, %dma_wait3A_183] : memref<1000000x32xf32, #tpu.memory_space<hbm>> -> memref<1000000x32xf32, #tpu.memory_space<hbm>>
      tpu.wait_indirect_dma semaphore(%arg10 : memref<!tpu.dma_semaphore, #tpu.memory_space<semaphore_mem>>) src(%dma_wait3A_184 : memref<1000000x32xf32, #tpu.memory_space<hbm>>) dst(%dma_wait3A_178 : memref<128x32xf32, #tpu.memory_space<vmem>>)
      %dma_wait3A_185 = arith.constant 1 : i32
      %dma_wait3A_186 = arith.constant 128 : i32
      %dma_wait3A_187 = arith.constant 0 : i32
      %dma_wait3A_188 = tpu.memref_slice %arg8[%dma_wait3A_186, %dma_wait3A_187] : memref<1024x32xf32, #tpu.memory_space<vmem>> -> memref<128x32xf32, #tpu.memory_space<vmem>>
      %dma_wait3A_189 = arith.constant 0 : i32
      %dma_wait3A_190 = tpu.memref_slice %arg7[%dma_wait3A_185, %dma_wait3A_189] : memref<8x128xi32, #tpu.memory_space<vmem>> -> memref<1x128xi32, #tpu.memory_space<vmem>>
      %dma_wait3A_191 = tpu.memref_squeeze %dma_wait3A_190 : memref<1x128xi32, #tpu.memory_space<vmem>> -> memref<128xi32, #tpu.memory_space<vmem>>
      %dma_wait3A_192 = arith.constant 0 : i32
      %dma_wait3A_193 = arith.constant 0 : i32
      %dma_wait3A_194 = tpu.memref_slice %arg3[%dma_wait3A_192, %dma_wait3A_193] : memref<1000000x32xf32, #tpu.memory_space<hbm>> -> memref<1000000x32xf32, #tpu.memory_space<hbm>>
      tpu.wait_indirect_dma semaphore(%arg10 : memref<!tpu.dma_semaphore, #tpu.memory_space<semaphore_mem>>) src(%dma_wait3A_194 : memref<1000000x32xf32, #tpu.memory_space<hbm>>) dst(%dma_wait3A_188 : memref<128x32xf32, #tpu.memory_space<vmem>>)
      %dma_wait3A_195 = arith.constant 2 : i32
      %dma_wait3A_196 = arith.constant 256 : i32
      %dma_wait3A_197 = arith.constant 0 : i32
      %dma_wait3A_198 = tpu.memref_slice %arg8[%dma_wait3A_196, %dma_wait3A_197] : memref<1024x32xf32, #tpu.memory_space<vmem>> -> memref<128x32xf32, #tpu.memory_space<vmem>>
      %dma_wait3A_199 = arith.constant 0 : i32
      %dma_wait3A_200 = tpu.memref_slice %arg7[%dma_wait3A_195, %dma_wait3A_199] : memref<8x128xi32, #tpu.memory_space<vmem>> -> memref<1x128xi32, #tpu.memory_space<vmem>>
      %dma_wait3A_201 = tpu.memref_squeeze %dma_wait3A_200 : memref<1x128xi32, #tpu.memory_space<vmem>> -> memref<128xi32, #tpu.memory_space<vmem>>
      %dma_wait3A_202 = arith.constant 0 : i32
      %dma_wait3A_203 = arith.constant 0 : i32
      %dma_wait3A_204 = tpu.memref_slice %arg3[%dma_wait3A_202, %dma_wait3A_203] : memref<1000000x32xf32, #tpu.memory_space<hbm>> -> memref<1000000x32xf32, #tpu.memory_space<hbm>>
      tpu.wait_indirect_dma semaphore(%arg10 : memref<!tpu.dma_semaphore, #tpu.memory_space<semaphore_mem>>) src(%dma_wait3A_204 : memref<1000000x32xf32, #tpu.memory_space<hbm>>) dst(%dma_wait3A_198 : memref<128x32xf32, #tpu.memory_space<vmem>>)
      %dma_wait3A_205 = arith.constant 3 : i32
      %dma_wait3A_206 = arith.constant 384 : i32
      %dma_wait3A_207 = arith.constant 0 : i32
      %dma_wait3A_208 = tpu.memref_slice %arg8[%dma_wait3A_206, %dma_wait3A_207] : memref<1024x32xf32, #tpu.memory_space<vmem>> -> memref<128x32xf32, #tpu.memory_space<vmem>>
      %dma_wait3A_209 = arith.constant 0 : i32
      %dma_wait3A_210 = tpu.memref_slice %arg7[%dma_wait3A_205, %dma_wait3A_209] : memref<8x128xi32, #tpu.memory_space<vmem>> -> memref<1x128xi32, #tpu.memory_space<vmem>>
      %dma_wait3A_211 = tpu.memref_squeeze %dma_wait3A_210 : memref<1x128xi32, #tpu.memory_space<vmem>> -> memref<128xi32, #tpu.memory_space<vmem>>
      %dma_wait3A_212 = arith.constant 0 : i32
      %dma_wait3A_213 = arith.constant 0 : i32
      %dma_wait3A_214 = tpu.memref_slice %arg3[%dma_wait3A_212, %dma_wait3A_213] : memref<1000000x32xf32, #tpu.memory_space<hbm>> -> memref<1000000x32xf32, #tpu.memory_space<hbm>>
      tpu.wait_indirect_dma semaphore(%arg10 : memref<!tpu.dma_semaphore, #tpu.memory_space<semaphore_mem>>) src(%dma_wait3A_214 : memref<1000000x32xf32, #tpu.memory_space<hbm>>) dst(%dma_wait3A_208 : memref<128x32xf32, #tpu.memory_space<vmem>>)
      %dma_wait3A_215 = arith.constant 4 : i32
      %dma_wait3A_216 = arith.constant 512 : i32
      %dma_wait3A_217 = arith.constant 0 : i32
      %dma_wait3A_218 = tpu.memref_slice %arg8[%dma_wait3A_216, %dma_wait3A_217] : memref<1024x32xf32, #tpu.memory_space<vmem>> -> memref<128x32xf32, #tpu.memory_space<vmem>>
      %dma_wait3A_219 = arith.constant 0 : i32
      %dma_wait3A_220 = tpu.memref_slice %arg7[%dma_wait3A_215, %dma_wait3A_219] : memref<8x128xi32, #tpu.memory_space<vmem>> -> memref<1x128xi32, #tpu.memory_space<vmem>>
      %dma_wait3A_221 = tpu.memref_squeeze %dma_wait3A_220 : memref<1x128xi32, #tpu.memory_space<vmem>> -> memref<128xi32, #tpu.memory_space<vmem>>
      %dma_wait3A_222 = arith.constant 0 : i32
      %dma_wait3A_223 = arith.constant 0 : i32
      %dma_wait3A_224 = tpu.memref_slice %arg3[%dma_wait3A_222, %dma_wait3A_223] : memref<1000000x32xf32, #tpu.memory_space<hbm>> -> memref<1000000x32xf32, #tpu.memory_space<hbm>>
      tpu.wait_indirect_dma semaphore(%arg10 : memref<!tpu.dma_semaphore, #tpu.memory_space<semaphore_mem>>) src(%dma_wait3A_224 : memref<1000000x32xf32, #tpu.memory_space<hbm>>) dst(%dma_wait3A_218 : memref<128x32xf32, #tpu.memory_space<vmem>>)
      %dma_wait3A_225 = arith.constant 5 : i32
      %dma_wait3A_226 = arith.constant 640 : i32
      %dma_wait3A_227 = arith.constant 0 : i32
      %dma_wait3A_228 = tpu.memref_slice %arg8[%dma_wait3A_226, %dma_wait3A_227] : memref<1024x32xf32, #tpu.memory_space<vmem>> -> memref<128x32xf32, #tpu.memory_space<vmem>>
      %dma_wait3A_229 = arith.constant 0 : i32
      %dma_wait3A_230 = tpu.memref_slice %arg7[%dma_wait3A_225, %dma_wait3A_229] : memref<8x128xi32, #tpu.memory_space<vmem>> -> memref<1x128xi32, #tpu.memory_space<vmem>>
      %dma_wait3A_231 = tpu.memref_squeeze %dma_wait3A_230 : memref<1x128xi32, #tpu.memory_space<vmem>> -> memref<128xi32, #tpu.memory_space<vmem>>
      %dma_wait3A_232 = arith.constant 0 : i32
      %dma_wait3A_233 = arith.constant 0 : i32
      %dma_wait3A_234 = tpu.memref_slice %arg3[%dma_wait3A_232, %dma_wait3A_233] : memref<1000000x32xf32, #tpu.memory_space<hbm>> -> memref<1000000x32xf32, #tpu.memory_space<hbm>>
      tpu.wait_indirect_dma semaphore(%arg10 : memref<!tpu.dma_semaphore, #tpu.memory_space<semaphore_mem>>) src(%dma_wait3A_234 : memref<1000000x32xf32, #tpu.memory_space<hbm>>) dst(%dma_wait3A_228 : memref<128x32xf32, #tpu.memory_space<vmem>>)
      %dma_wait3A_235 = arith.constant 6 : i32
      %dma_wait3A_236 = arith.constant 768 : i32
      %dma_wait3A_237 = arith.constant 0 : i32
      %dma_wait3A_238 = tpu.memref_slice %arg8[%dma_wait3A_236, %dma_wait3A_237] : memref<1024x32xf32, #tpu.memory_space<vmem>> -> memref<128x32xf32, #tpu.memory_space<vmem>>
      %dma_wait3A_239 = arith.constant 0 : i32
      %dma_wait3A_240 = tpu.memref_slice %arg7[%dma_wait3A_235, %dma_wait3A_239] : memref<8x128xi32, #tpu.memory_space<vmem>> -> memref<1x128xi32, #tpu.memory_space<vmem>>
      %dma_wait3A_241 = tpu.memref_squeeze %dma_wait3A_240 : memref<1x128xi32, #tpu.memory_space<vmem>> -> memref<128xi32, #tpu.memory_space<vmem>>
      %dma_wait3A_242 = arith.constant 0 : i32
      %dma_wait3A_243 = arith.constant 0 : i32
      %dma_wait3A_244 = tpu.memref_slice %arg3[%dma_wait3A_242, %dma_wait3A_243] : memref<1000000x32xf32, #tpu.memory_space<hbm>> -> memref<1000000x32xf32, #tpu.memory_space<hbm>>
      tpu.wait_indirect_dma semaphore(%arg10 : memref<!tpu.dma_semaphore, #tpu.memory_space<semaphore_mem>>) src(%dma_wait3A_244 : memref<1000000x32xf32, #tpu.memory_space<hbm>>) dst(%dma_wait3A_238 : memref<128x32xf32, #tpu.memory_space<vmem>>)
      %dma_wait3A_245 = arith.constant 7 : i32
      %dma_wait3A_246 = arith.constant 896 : i32
      %dma_wait3A_247 = arith.constant 0 : i32
      %dma_wait3A_248 = tpu.memref_slice %arg8[%dma_wait3A_246, %dma_wait3A_247] : memref<1024x32xf32, #tpu.memory_space<vmem>> -> memref<128x32xf32, #tpu.memory_space<vmem>>
      %dma_wait3A_249 = arith.constant 0 : i32
      %dma_wait3A_250 = tpu.memref_slice %arg7[%dma_wait3A_245, %dma_wait3A_249] : memref<8x128xi32, #tpu.memory_space<vmem>> -> memref<1x128xi32, #tpu.memory_space<vmem>>
      %dma_wait3A_251 = tpu.memref_squeeze %dma_wait3A_250 : memref<1x128xi32, #tpu.memory_space<vmem>> -> memref<128xi32, #tpu.memory_space<vmem>>
      %dma_wait3A_252 = arith.constant 0 : i32
      %dma_wait3A_253 = arith.constant 0 : i32
      %dma_wait3A_254 = tpu.memref_slice %arg3[%dma_wait3A_252, %dma_wait3A_253] : memref<1000000x32xf32, #tpu.memory_space<hbm>> -> memref<1000000x32xf32, #tpu.memory_space<hbm>>
      tpu.wait_indirect_dma semaphore(%arg10 : memref<!tpu.dma_semaphore, #tpu.memory_space<semaphore_mem>>) src(%dma_wait3A_254 : memref<1000000x32xf32, #tpu.memory_space<hbm>>) dst(%dma_wait3A_248 : memref<128x32xf32, #tpu.memory_space<vmem>>)
      %dma_wait3A_255 = arith.constant 0 : i32
      %dma_wait3A_256 = arith.constant 0 : i32
      %dma_wait3A_257 = arith.constant 0 : i32
      %dma_wait3A_258 = tpu.memref_slice %arg9[%dma_wait3A_256, %dma_wait3A_257] : memref<1024x32xf32, #tpu.memory_space<vmem>> -> memref<128x32xf32, #tpu.memory_space<vmem>>
      %dma_wait3A_259 = arith.constant 0 : i32
      %dma_wait3A_260 = tpu.memref_slice %arg7[%dma_wait3A_255, %dma_wait3A_259] : memref<8x128xi32, #tpu.memory_space<vmem>> -> memref<1x128xi32, #tpu.memory_space<vmem>>
      %dma_wait3A_261 = tpu.memref_squeeze %dma_wait3A_260 : memref<1x128xi32, #tpu.memory_space<vmem>> -> memref<128xi32, #tpu.memory_space<vmem>>
      %dma_wait3A_262 = arith.constant 0 : i32
      %dma_wait3A_263 = arith.constant 0 : i32
      %dma_wait3A_264 = tpu.memref_slice %arg4[%dma_wait3A_262, %dma_wait3A_263] : memref<1000000x32xf32, #tpu.memory_space<hbm>> -> memref<1000000x32xf32, #tpu.memory_space<hbm>>
      tpu.wait_indirect_dma semaphore(%arg11 : memref<!tpu.dma_semaphore, #tpu.memory_space<semaphore_mem>>) src(%dma_wait3A_264 : memref<1000000x32xf32, #tpu.memory_space<hbm>>) dst(%dma_wait3A_258 : memref<128x32xf32, #tpu.memory_space<vmem>>)
      %dma_wait3A_265 = arith.constant 1 : i32
      %dma_wait3A_266 = arith.constant 128 : i32
      %dma_wait3A_267 = arith.constant 0 : i32
      %dma_wait3A_268 = tpu.memref_slice %arg9[%dma_wait3A_266, %dma_wait3A_267] : memref<1024x32xf32, #tpu.memory_space<vmem>> -> memref<128x32xf32, #tpu.memory_space<vmem>>
      %dma_wait3A_269 = arith.constant 0 : i32
      %dma_wait3A_270 = tpu.memref_slice %arg7[%dma_wait3A_265, %dma_wait3A_269] : memref<8x128xi32, #tpu.memory_space<vmem>> -> memref<1x128xi32, #tpu.memory_space<vmem>>
      %dma_wait3A_271 = tpu.memref_squeeze %dma_wait3A_270 : memref<1x128xi32, #tpu.memory_space<vmem>> -> memref<128xi32, #tpu.memory_space<vmem>>
      %dma_wait3A_272 = arith.constant 0 : i32
      %dma_wait3A_273 = arith.constant 0 : i32
      %dma_wait3A_274 = tpu.memref_slice %arg4[%dma_wait3A_272, %dma_wait3A_273] : memref<1000000x32xf32, #tpu.memory_space<hbm>> -> memref<1000000x32xf32, #tpu.memory_space<hbm>>
      tpu.wait_indirect_dma semaphore(%arg11 : memref<!tpu.dma_semaphore, #tpu.memory_space<semaphore_mem>>) src(%dma_wait3A_274 : memref<1000000x32xf32, #tpu.memory_space<hbm>>) dst(%dma_wait3A_268 : memref<128x32xf32, #tpu.memory_space<vmem>>)
      %dma_wait3A_275 = arith.constant 2 : i32
      %dma_wait3A_276 = arith.constant 256 : i32
      %dma_wait3A_277 = arith.constant 0 : i32
      %dma_wait3A_278 = tpu.memref_slice %arg9[%dma_wait3A_276, %dma_wait3A_277] : memref<1024x32xf32, #tpu.memory_space<vmem>> -> memref<128x32xf32, #tpu.memory_space<vmem>>
      %dma_wait3A_279 = arith.constant 0 : i32
      %dma_wait3A_280 = tpu.memref_slice %arg7[%dma_wait3A_275, %dma_wait3A_279] : memref<8x128xi32, #tpu.memory_space<vmem>> -> memref<1x128xi32, #tpu.memory_space<vmem>>
      %dma_wait3A_281 = tpu.memref_squeeze %dma_wait3A_280 : memref<1x128xi32, #tpu.memory_space<vmem>> -> memref<128xi32, #tpu.memory_space<vmem>>
      %dma_wait3A_282 = arith.constant 0 : i32
      %dma_wait3A_283 = arith.constant 0 : i32
      %dma_wait3A_284 = tpu.memref_slice %arg4[%dma_wait3A_282, %dma_wait3A_283] : memref<1000000x32xf32, #tpu.memory_space<hbm>> -> memref<1000000x32xf32, #tpu.memory_space<hbm>>
      tpu.wait_indirect_dma semaphore(%arg11 : memref<!tpu.dma_semaphore, #tpu.memory_space<semaphore_mem>>) src(%dma_wait3A_284 : memref<1000000x32xf32, #tpu.memory_space<hbm>>) dst(%dma_wait3A_278 : memref<128x32xf32, #tpu.memory_space<vmem>>)
      %dma_wait3A_285 = arith.constant 3 : i32
      %dma_wait3A_286 = arith.constant 384 : i32
      %dma_wait3A_287 = arith.constant 0 : i32
      %dma_wait3A_288 = tpu.memref_slice %arg9[%dma_wait3A_286, %dma_wait3A_287] : memref<1024x32xf32, #tpu.memory_space<vmem>> -> memref<128x32xf32, #tpu.memory_space<vmem>>
      %dma_wait3A_289 = arith.constant 0 : i32
      %dma_wait3A_290 = tpu.memref_slice %arg7[%dma_wait3A_285, %dma_wait3A_289] : memref<8x128xi32, #tpu.memory_space<vmem>> -> memref<1x128xi32, #tpu.memory_space<vmem>>
      %dma_wait3A_291 = tpu.memref_squeeze %dma_wait3A_290 : memref<1x128xi32, #tpu.memory_space<vmem>> -> memref<128xi32, #tpu.memory_space<vmem>>
      %dma_wait3A_292 = arith.constant 0 : i32
      %dma_wait3A_293 = arith.constant 0 : i32
      %dma_wait3A_294 = tpu.memref_slice %arg4[%dma_wait3A_292, %dma_wait3A_293] : memref<1000000x32xf32, #tpu.memory_space<hbm>> -> memref<1000000x32xf32, #tpu.memory_space<hbm>>
      tpu.wait_indirect_dma semaphore(%arg11 : memref<!tpu.dma_semaphore, #tpu.memory_space<semaphore_mem>>) src(%dma_wait3A_294 : memref<1000000x32xf32, #tpu.memory_space<hbm>>) dst(%dma_wait3A_288 : memref<128x32xf32, #tpu.memory_space<vmem>>)
      %dma_wait3A_295 = arith.constant 4 : i32
      %dma_wait3A_296 = arith.constant 512 : i32
      %dma_wait3A_297 = arith.constant 0 : i32
      %dma_wait3A_298 = tpu.memref_slice %arg9[%dma_wait3A_296, %dma_wait3A_297] : memref<1024x32xf32, #tpu.memory_space<vmem>> -> memref<128x32xf32, #tpu.memory_space<vmem>>
      %dma_wait3A_299 = arith.constant 0 : i32
      %dma_wait3A_300 = tpu.memref_slice %arg7[%dma_wait3A_295, %dma_wait3A_299] : memref<8x128xi32, #tpu.memory_space<vmem>> -> memref<1x128xi32, #tpu.memory_space<vmem>>
      %dma_wait3A_301 = tpu.memref_squeeze %dma_wait3A_300 : memref<1x128xi32, #tpu.memory_space<vmem>> -> memref<128xi32, #tpu.memory_space<vmem>>
      %dma_wait3A_302 = arith.constant 0 : i32
      %dma_wait3A_303 = arith.constant 0 : i32
      %dma_wait3A_304 = tpu.memref_slice %arg4[%dma_wait3A_302, %dma_wait3A_303] : memref<1000000x32xf32, #tpu.memory_space<hbm>> -> memref<1000000x32xf32, #tpu.memory_space<hbm>>
      tpu.wait_indirect_dma semaphore(%arg11 : memref<!tpu.dma_semaphore, #tpu.memory_space<semaphore_mem>>) src(%dma_wait3A_304 : memref<1000000x32xf32, #tpu.memory_space<hbm>>) dst(%dma_wait3A_298 : memref<128x32xf32, #tpu.memory_space<vmem>>)
      %dma_wait3A_305 = arith.constant 5 : i32
      %dma_wait3A_306 = arith.constant 640 : i32
      %dma_wait3A_307 = arith.constant 0 : i32
      %dma_wait3A_308 = tpu.memref_slice %arg9[%dma_wait3A_306, %dma_wait3A_307] : memref<1024x32xf32, #tpu.memory_space<vmem>> -> memref<128x32xf32, #tpu.memory_space<vmem>>
      %dma_wait3A_309 = arith.constant 0 : i32
      %dma_wait3A_310 = tpu.memref_slice %arg7[%dma_wait3A_305, %dma_wait3A_309] : memref<8x128xi32, #tpu.memory_space<vmem>> -> memref<1x128xi32, #tpu.memory_space<vmem>>
      %dma_wait3A_311 = tpu.memref_squeeze %dma_wait3A_310 : memref<1x128xi32, #tpu.memory_space<vmem>> -> memref<128xi32, #tpu.memory_space<vmem>>
      %dma_wait3A_312 = arith.constant 0 : i32
      %dma_wait3A_313 = arith.constant 0 : i32
      %dma_wait3A_314 = tpu.memref_slice %arg4[%dma_wait3A_312, %dma_wait3A_313] : memref<1000000x32xf32, #tpu.memory_space<hbm>> -> memref<1000000x32xf32, #tpu.memory_space<hbm>>
      tpu.wait_indirect_dma semaphore(%arg11 : memref<!tpu.dma_semaphore, #tpu.memory_space<semaphore_mem>>) src(%dma_wait3A_314 : memref<1000000x32xf32, #tpu.memory_space<hbm>>) dst(%dma_wait3A_308 : memref<128x32xf32, #tpu.memory_space<vmem>>)
      %dma_wait3A_315 = arith.constant 6 : i32
      %dma_wait3A_316 = arith.constant 768 : i32
      %dma_wait3A_317 = arith.constant 0 : i32
      %dma_wait3A_318 = tpu.memref_slice %arg9[%dma_wait3A_316, %dma_wait3A_317] : memref<1024x32xf32, #tpu.memory_space<vmem>> -> memref<128x32xf32, #tpu.memory_space<vmem>>
      %dma_wait3A_319 = arith.constant 0 : i32
      %dma_wait3A_320 = tpu.memref_slice %arg7[%dma_wait3A_315, %dma_wait3A_319] : memref<8x128xi32, #tpu.memory_space<vmem>> -> memref<1x128xi32, #tpu.memory_space<vmem>>
      %dma_wait3A_321 = tpu.memref_squeeze %dma_wait3A_320 : memref<1x128xi32, #tpu.memory_space<vmem>> -> memref<128xi32, #tpu.memory_space<vmem>>
      %dma_wait3A_322 = arith.constant 0 : i32
      %dma_wait3A_323 = arith.constant 0 : i32
      %dma_wait3A_324 = tpu.memref_slice %arg4[%dma_wait3A_322, %dma_wait3A_323] : memref<1000000x32xf32, #tpu.memory_space<hbm>> -> memref<1000000x32xf32, #tpu.memory_space<hbm>>
      tpu.wait_indirect_dma semaphore(%arg11 : memref<!tpu.dma_semaphore, #tpu.memory_space<semaphore_mem>>) src(%dma_wait3A_324 : memref<1000000x32xf32, #tpu.memory_space<hbm>>) dst(%dma_wait3A_318 : memref<128x32xf32, #tpu.memory_space<vmem>>)
      %dma_wait3A_325 = arith.constant 7 : i32
      %dma_wait3A_326 = arith.constant 896 : i32
      %dma_wait3A_327 = arith.constant 0 : i32
      %dma_wait3A_328 = tpu.memref_slice %arg9[%dma_wait3A_326, %dma_wait3A_327] : memref<1024x32xf32, #tpu.memory_space<vmem>> -> memref<128x32xf32, #tpu.memory_space<vmem>>
      %dma_wait3A_329 = arith.constant 0 : i32
      %dma_wait3A_330 = tpu.memref_slice %arg7[%dma_wait3A_325, %dma_wait3A_329] : memref<8x128xi32, #tpu.memory_space<vmem>> -> memref<1x128xi32, #tpu.memory_space<vmem>>
      %dma_wait3A_331 = tpu.memref_squeeze %dma_wait3A_330 : memref<1x128xi32, #tpu.memory_space<vmem>> -> memref<128xi32, #tpu.memory_space<vmem>>
      %dma_wait3A_332 = arith.constant 0 : i32
      %dma_wait3A_333 = arith.constant 0 : i32
      %dma_wait3A_334 = tpu.memref_slice %arg4[%dma_wait3A_332, %dma_wait3A_333] : memref<1000000x32xf32, #tpu.memory_space<hbm>> -> memref<1000000x32xf32, #tpu.memory_space<hbm>>
      tpu.wait_indirect_dma semaphore(%arg11 : memref<!tpu.dma_semaphore, #tpu.memory_space<semaphore_mem>>) src(%dma_wait3A_334 : memref<1000000x32xf32, #tpu.memory_space<hbm>>) dst(%dma_wait3A_328 : memref<128x32xf32, #tpu.memory_space<vmem>>)
      "tpu.region"() ({
        %run_scoped3A = tpu.sem_alloc : memref<!tpu.dma_semaphore, #tpu.memory_space<semaphore_mem>>
        %dma_start3A_335 = arith.constant 0 : i32
        %dma_start3A_336 = tpu.memref_slice %arg5[%mul3A_13, %dma_start3A_335] : memref<819200x32xf32, #tpu.memory_space<hbm>> -> memref<1024x32xf32, #tpu.memory_space<hbm>>
        %dma_start3A_337 = arith.constant 0 : i32
        %dma_start3A_338 = tpu.memref_slice %arg5[%mul3A_13, %dma_start3A_337] : memref<819200x32xf32, #tpu.memory_space<hbm>> -> memref<1024x32xf32, #tpu.memory_space<hbm>>
        tpu.enqueue_dma source(%arg8 : memref<1024x32xf32, #tpu.memory_space<vmem>>) target(%dma_start3A_338 : memref<1024x32xf32, #tpu.memory_space<hbm>>) target_semaphore(%run_scoped3A : memref<!tpu.dma_semaphore, #tpu.memory_space<semaphore_mem>>)
        %dma_wait3A_339 = arith.constant 0 : i32
        %dma_wait3A_340 = tpu.memref_slice %arg5[%mul3A_13, %dma_wait3A_339] : memref<819200x32xf32, #tpu.memory_space<hbm>> -> memref<1024x32xf32, #tpu.memory_space<hbm>>
        %dma_wait3A_341 = arith.constant 0 : i32
        %dma_wait3A_342 = tpu.memref_slice %arg5[%mul3A_13, %dma_wait3A_341] : memref<819200x32xf32, #tpu.memory_space<hbm>> -> memref<1024x32xf32, #tpu.memory_space<hbm>>
        tpu.wait_dma2 semaphore(%run_scoped3A : memref<!tpu.dma_semaphore, #tpu.memory_space<semaphore_mem>>) src(%arg8 : memref<1024x32xf32, #tpu.memory_space<vmem>>) dst(%dma_wait3A_342 : memref<1024x32xf32, #tpu.memory_space<hbm>>)
        tpu.yield
      }) : () -> ()
      "tpu.region"() ({
        %run_scoped3A = tpu.sem_alloc : memref<!tpu.dma_semaphore, #tpu.memory_space<semaphore_mem>>
        %dma_start3A_335 = arith.constant 0 : i32
        %dma_start3A_336 = tpu.memref_slice %arg6[%mul3A_13, %dma_start3A_335] : memref<819200x32xf32, #tpu.memory_space<hbm>> -> memref<1024x32xf32, #tpu.memory_space<hbm>>
        %dma_start3A_337 = arith.constant 0 : i32
        %dma_start3A_338 = tpu.memref_slice %arg6[%mul3A_13, %dma_start3A_337] : memref<819200x32xf32, #tpu.memory_space<hbm>> -> memref<1024x32xf32, #tpu.memory_space<hbm>>
        tpu.enqueue_dma source(%arg9 : memref<1024x32xf32, #tpu.memory_space<vmem>>) target(%dma_start3A_338 : memref<1024x32xf32, #tpu.memory_space<hbm>>) target_semaphore(%run_scoped3A : memref<!tpu.dma_semaphore, #tpu.memory_space<semaphore_mem>>)
        %dma_wait3A_339 = arith.constant 0 : i32
        %dma_wait3A_340 = tpu.memref_slice %arg6[%mul3A_13, %dma_wait3A_339] : memref<819200x32xf32, #tpu.memory_space<hbm>> -> memref<1024x32xf32, #tpu.memory_space<hbm>>
        %dma_wait3A_341 = arith.constant 0 : i32
        %dma_wait3A_342 = tpu.memref_slice %arg6[%mul3A_13, %dma_wait3A_341] : memref<819200x32xf32, #tpu.memory_space<hbm>> -> memref<1024x32xf32, #tpu.memory_space<hbm>>
        tpu.wait_dma2 semaphore(%run_scoped3A : memref<!tpu.dma_semaphore, #tpu.memory_space<semaphore_mem>>) src(%arg9 : memref<1024x32xf32, #tpu.memory_space<vmem>>) dst(%dma_wait3A_342 : memref<1024x32xf32, #tpu.memory_space<hbm>>)
        tpu.yield
      }) : () -> ()
    }
    %scan3A_7 = arith.constant 25 : i32
    return
  }
}

</mosaic_0001>

<sc_bundles>
// kernel: kernel.3.cloned.1.call-start
scs
__scs_entry_jumppad:
0x0: {  	(pc) =	sbr.rel $0x88, $3  }
0x1: {  	(tag) =	ssettag $0x0;
	lr =	simm.s32 $0x1  }
0x2: {  	[smem:$0x3F9E] =	sst lr;
	_ =	strace $0xD0000000  }
0x3: {  	_ = 	snop  }
0x4: {  	_ = 	snop  }
0x5: {  	_ = 	snop  }
0x6: {  	_ = 	snop  }
0x7: {  	_ = 	snop  }
__scs_overlays_trampoline_lowered:
0x8: {  	[smem:$0x3FAD] =	sst s0  }
0x9: {  	[smem:$0x3FAE] =	sst s1  }
0xa: {  	[smem:$0x3FAF] =	sst s2  }
0xb: {  	[smem:$0x3FB0] =	sst s3  }
0xc: {  	[smem:$0x3FB1] =	sst s4  }
0xd: {  	[smem:$0x3FB2] =	sst s5  }
0xe: {  	[smem:$0x3FB3] =	sst s6  }
0xf: {  	[smem:$0x3FB4] =	sst s7  }
0x10: {  	[smem:$0x3FB5] =	sst s8  }
0x11: {  	[smem:$0x3FB6] =	sst s9;
	s0 =	simm.s32 @!p0 $0x0  }
0x12: {  	s1 =	sld [smem:$0x3F9C];
	s0 =	simm.s32 @p0 $0x1  }
0x13: {  	[smem:$0x3FB7] =	sst s0;
	s0 =	simm.s32 @!p1 $0x0  }
0x14: {  	s2 =	sld [smem:$0x3F9B];
	s0 =	simm.s32 @p1 $0x1  }
0x15: {  	[smem:$0x3FB8] =	sst s0;
	s0 =	simm.s32 @!p2 $0x0  }
0x16: {  	s3 =	sld [smem:$0x3FDB];
	s0 =	simm.s32 @p2 $0x1  }
0x17: {  	s4 =	simm.s32 $0x1BF5;
	[smem:$0x3FBA] =	sst s0  }
0x18: {  	s0 =	sld [smem:$0x3F9D];
	_ =	swait.ge [sflag:s4], $0x0  }
0x19: {  	s7 =	sld [smem:$0x3F9E]  }
0x1a: {  	s8 =	sadd.s32 $0xFFFFE003, lr  }
0x1b: {  	s9 =	sadd.s32 $0xFFFFFEF7, lr;
	s5 =	simm.s32 $0xFFFFFFFF;
	p2 =	slt.u32 s8, $0xFFFFF086  }
0x1c: {  	p1 =	slt.u32 s9, $0xF7A;
	s5 =	simm.s32 @!p2 $0x0  }
0x1d: {  	s5 =	simm.s32 @p1 $0x1;
	p0 =	seq.s32 s7, s2  }
0x1e: {  	s7 =	smul.u32 @!p0 $0xF7A, s2;
	p2 =	seq.s32 @!p0 s5, $0x0  }
0x1f: {  	s9 =	smul.u32 $0xF7A, s1;
	s8 =	simm.s32 @!p0 $0x1BF5;
	p2 =	por !p2, p0  }
0x20: {  	[sflag:s8] =	ssyncset.s32 @!p0 $0xFFFFF086;
	s6 =	sadd.s32 @!p0 s3, s7;
	s7 =	simm.s32 @!p0 $0x108  }
0x21: {  	s3 =	sadd.s32 s3, s9;
	s6 =	sadd.s32 @!p0 $0x88, s6;
	s7 =	simm.s32 @p2 $0x1082  }
0x22: {  	[simem:s7], [sflag:s8] =	dma.local @!p0 [hbm:s6], $0xF7A  }
0x23: {  	s9 =	sor.u32 $0xD0000000, s2;
	s6 =	simm.s32 $0x108;
	_ =	swait.ge @!p0 [sflag:s8], $0x0  }
0x24: {  	s3 =	sadd.s32 $0x88, s3;
	s6 =	simm.s32 @!p1 $0x1082;
	[sflag:s4] =	ssyncset.s32 $0xFFFFF086  }
0x25: {  	[simem:s6], [sflag:s4] =	dma.local [hbm:s3], $0xF7A  }
0x26: {  	[smem:$0x3F9E] =	sst s1;
	(tag) =	ssettag s2;
	_ =	strace s9  }
0x27: {  	s1 =	sld [smem:$0x3FAE]  }
0x28: {  	s2 =	sld [smem:$0x3FAF]  }
0x29: {  	s4 =	sld [smem:$0x3FB1]  }
0x2a: {  	p0 =	seq.s32 s5, $0x0;
	s5 =	sld [smem:$0x3FB2]  }
0x2b: {  	s6 =	sld [smem:$0x3FB3]  }
0x2c: {  	s7 =	sld [smem:$0x3FB4]  }
0x2d: {  	s3 =	simm.s32 $0x108;
	s8 =	sld [smem:$0x3FB5]  }
0x2e: {  	s3 =	simm.s32 @!p0 $0x1082;
	s9 =	sld [smem:$0x3FB6]  }
0x2f: {  	lr =	sadd.s32 s0, s3;
	s0 =	sld [smem:$0x3FAD]  }
0x30: {  	s3 =	sld [smem:$0x3FB0]  }
0x31: {  	[smem:$0x3FB9] =	sst s10  }
0x32: {  	s10 =	sld [smem:$0x3FB7];
	_ =	sdelay $0x3  }
0x33: {  	p0 =	seq.s32 s10, $0x1;
	s10 =	sld [smem:$0x3FB9];
	_ =	sdelay $0x3  }
0x34: {  	[smem:$0x3FB9] =	sst s10  }
0x35: {  	s10 =	sld [smem:$0x3FB8];
	_ =	sdelay $0x3  }
0x36: {  	p1 =	seq.s32 s10, $0x1;
	s10 =	sld [smem:$0x3FB9];
	_ =	sdelay $0x3  }
0x37: {  	[smem:$0x3FB9] =	sst s10  }
0x38: {  	s10 =	sld [smem:$0x3FBA]  }
0x39: {  	_ = 	snop;
	(pc) =	sbr.ind lr, $3  }
0x3a: {  	_ = 	snop  }
0x3b: {  	_ = 	snop  }
0x3c: {  	p2 =	seq.s32 s10, $0x1;
	s10 =	sld [smem:$0x3FB9]  }
0x3d: {  	_ =	shalt  }
0x3e: {  	_ =	shalt  }
0x3f: {  	_ =	shalt  }
0x40: {  	_ =	shalt  }
0x41: {  	_ =	shalt  }
0x42: {  	_ =	shalt  }
0x43: {  	_ =	shalt  }
0x44: {  	_ =	shalt  }
0x45: {  	_ =	shalt  }
0x46: {  	_ =	shalt  }
0x47: {  	_ =	shalt  }
0x48: {  	_ =	shalt  }
0x49: {  	_ =	shalt  }
0x4a: {  	_ =	shalt  }
0x4b: {  	_ =	shalt  }
0x4c: {  	_ =	shalt  }
0x4d: {  	_ =	shalt  }
0x4e: {  	_ =	shalt  }
0x4f: {  	_ =	shalt  }
0x50: {  	_ =	shalt  }
0x51: {  	_ =	shalt  }
0x52: {  	_ =	shalt  }
0x53: {  	_ =	shalt  }
0x54: {  	_ =	shalt  }
0x55: {  	_ =	shalt  }
0x56: {  	_ =	shalt  }
0x57: {  	_ =	shalt  }
0x58: {  	_ =	shalt  }
0x59: {  	_ =	shalt  }
0x5a: {  	_ =	shalt  }
0x5b: {  	_ =	shalt  }
0x5c: {  	_ =	shalt  }
0x5d: {  	_ =	shalt  }
0x5e: {  	_ =	shalt  }
0x5f: {  	_ =	shalt  }
0x60: {  	_ =	shalt  }
0x61: {  	_ =	shalt  }
0x62: {  	_ =	shalt  }
0x63: {  	_ =	shalt  }
0x64: {  	_ =	shalt  }
0x65: {  	_ =	shalt  }
0x66: {  	_ =	shalt  }
0x67: {  	_ =	shalt  }
0x68: {  	_ =	shalt  }
0x69: {  	_ =	shalt  }
0x6a: {  	_ =	shalt  }
0x6b: {  	_ =	shalt  }
0x6c: {  	_ =	shalt  }
0x6d: {  	_ =	shalt  }
0x6e: {  	_ =	shalt  }
0x6f: {  	_ =	shalt  }
0x70: {  	_ =	shalt  }
0x71: {  	_ =	shalt  }
0x72: {  	_ =	shalt  }
0x73: {  	_ =	shalt  }
0x74: {  	_ =	shalt  }
0x75: {  	_ =	shalt  }
0x76: {  	_ =	shalt  }
0x77: {  	_ =	shalt  }
0x78: {  	_ =	shalt  }
0x79: {  	_ =	shalt  }
0x7a: {  	_ =	shalt  }
0x7b: {  	_ =	shalt  }
0x7c: {  	_ =	shalt  }
0x7d: {  	_ =	shalt  }
0x7e: {  	_ =	shalt  }
0x7f: {  	_ =	shalt  }
0x80: {  	_ =	shalt  }
0x81: {  	_ =	shalt  }
0x82: {  	_ =	shalt  }
0x83: {  	_ =	shalt  }
0x84: {  	_ =	shalt  }
0x85: {  	_ =	shalt  }
0x86: {  	_ =	shalt  }
0x87: {  	_ =	shalt  }
.Lfunc_end0:
.L_simem_size_0:
called_computation.2_lowered:
.L_overlay_start_0:
0x88: {  	s2 =	sld [smem:$0x3FD9]  }
0x89: {  	s3 =	sld [smem:$0x3FFE];
	_ =	sdelay $0x1  }
0x8a: {  	s1 =	srdreg.scid  }
0x8b: {  	s0 =	sand.u32 $0x1, s1  }
0x8c: {  	s17 =	sshll.u32 s0, $0xA;
	s2 =	sadd.s32 s3, s2  }
0x8d: {  	s2 =	sadd.s32 s2, s17  }
0x8e: {  	[smem:$0x3FC5] =	sst s2  }
0x8f: {  	_ = 	snop  }
0x90: {  	s2 =	sld [smem:$0x3FD0];
	(tm) =	ssettm $0x1  }
0x91: {  	s18 =	sld [smem:$0x3FFB];
	_ =	sdelay $0x3  }
0x92: {  	_ =	strace s18  }
0x93: {  	s3 =	sld [smem:$0x3FFC];
	_ =	sdelay $0x3  }
0x94: {  	_ =	strace s3  }
0x95: {  	s3 =	sld [smem:$0x3FFD];
	_ =	sdelay $0x3  }
0x96: {  	_ =	strace s3  }
0x97: {  	_ =	strace $0x8FFFFFFF  }
0x98: {  	s19 =	sld [smem:$0x3FDB];
	_ =	sdelay $0x1  }
0x99: {  	s4 =	simm.s32 $_scs_section_size  }
0x9a: {  	s5 =	simm.s32 $_size__tile_overlayer_lowered;
	s6 =	simm.s32 $_tile_overlayer_lowered  }
0x9b: {  	s22 =	simm.s32 $0x1BFF;
	s21 =	sshll.u32 s6, $0x1;
	s3 =	sadd.s32 s4, s19  }
0x9c: {  	s7 =	simm.s32 $0x0;
	s20 =	sshll.u32 s5, $0x1;
	s5 =	sadd.s32 s21, s3  }
0x9d: {  	[timem:s7], [sflag:s22] =	dma.local [hbm:s5], s20  }
0x9e: {  	_ =	swait.ge [sflag:s22], s20  }
0x9f: {  	s4 =	ssub.s32 $0x0, s20;
	[sflag:s22] =	ssyncset.done $0x0  }
0xa0: {  	[sflag:s22] =	ssyncadd.s32 s4;
	_ =	sdelay $0x1  }
0xa1: {  	s23 =	simm.s32 $0x1B8B  }
0xa2: {  	_ =	swait.ge [sflag:s23], $0x1  }
0xa3: {  	[sflag:s23] =	ssyncset.done $0x0  }
0xa4: {  	s25 =	simm.s32 $0x1B8E;
	s24 =	sld [smem:$0x3FFE];
	[sflag:s23] =	ssyncadd.s32 $0xFFFFFFFF  }
0xa5: {  	s26 =	simm.s32 $execute0_lowered;
	[smem:$0x3FD2] =	sst s25  }
0xa6: {  	s5 =	sshll.u32 s26, $0x1;
	_ =	strace $0x80000046;
	[dreg:$0x1] =	wrdreg $0xFFFFFFFF  }
0xa7: {  	s28 =	simm.s32 $_size_execute0_lowered;
	s3 =	sadd.s32 s3, s5;
	[dreg:$0x0] =	wrdreg $0x0  }
0xa8: {  	s5 =	sshll.u32 s28, $0x1;
	[dreg:$0x2] =	wrdreg s3  }
0xa9: {  	[dreg:$0x3] =	wrdreg s5  }
0xaa: {  	[dreg:$0x4] =	wrdreg $0xC0  }
0xab: {  	_ =	task [dreg:s7], $0x5FFFF  }
0xac: {  	[dreg:$0x1] =	wrdreg $0xFFFFFFFF  }
0xad: {  	[dreg:$0x0] =	wrdreg $0x60  }
0xae: {  	[dreg:$0x2] =	wrdreg s24  }
0xaf: {  	[dreg:$0x3] =	wrdreg s2  }
0xb0: {  	[dreg:$0x4] =	wrdreg $0x9  }
0xb1: {  	_ =	task.clear_ibuf [dreg:s7], $0x5FFFF;
	_ =	strace $0x90000046  }
0xb2: {  	s29 =	simm.s32 $0x9;
	_ =	strace $0x80000048  }
0xb3: {  	_ =	swait.ge [sflag:s29], $0x1  }
0xb4: {  	[sflag:s29] =	ssyncadd.s32 $0xFFFFFFFF  }
0xb5: {  	_ =	strace $0x90000048  }
0xb6: {  	_ =	sfence  }
0xb7: {  	s30 =	sld [smem:$0x0];
	_ =	sdelay $0x2  }
0xb8: {  	s31 =	sshll.u32 s1, $0xD;
	s1 =	sshrl.u32 s1, $0x2  }
0xb9: {  	s3 =	sand.u32 $0x4000, s31;
	s1 =	sadd.s32 s1, s30  }
0xba: {  	s0 =	sor.u32 s3, s0;
	s1 =	sshll.u32 s1, $0x11  }
0xbb: {  	s0 =	sor.u32 s1, s0  }
0xbc: {  	s0 =	sadd.s32 $0x8F2B, s0  }
0xbd: {  	[sflag:s0] =	ssyncadd.remote.s32 $0x1  }
0xbe: {  	_ =	sfence.sel $0xFFFF  }
0xbf: {  	[dreg:$0x0] =	wrdreg $0xFFFFFFFF;
	(pc) =	sbr.abs _section_cstart, $3  }
0xc0: {  	[dreg:$0x1] =	wrdreg $0xFFFFFFFF  }
0xc1: {  	_ =	task.clear_ibuf [dreg:s7], $0x2FFFF;
	_ =	strace $0x9FFFFFFF  }
0xc2: {  	(tm) =	ssettm $0x7FFFFFFF  }
0xc3: {  	_ =	shalt  }
tec
execute0_lowered:
.L_overlay_start_1:
0x0: {  	(tag) =	ssettag $0x1  }
0x1: {  	s0 =	rddreg [dreg:$0x0]  }
0x2: {  	s1 =	srdreg.scid;
	s6 =	stileid.u32  }
0x3: {  	s2 =	rddreg [dreg:$0x1];
	s3 =	simm.s32 $0x0;
	s9 =	simm.s32 $0x400  }
0x4: {  	s24 =	simm.s32 $0x1400;
	s10 =	simm.s32 $0x100;
	s25 =	simm.s32 $0x2400  }
0x5: {  	s11 =	simm.s32 $0x180;
	s26 =	simm.s32 $0x3400;
	s12 =	simm.s32 $0x200  }
0x6: {  	s31 =	simm.s32 $0x4400;
	s13 =	simm.s32 $0x280;
	s14 =	simm.s32 $0x5400  }
0x7: {  	s15 =	simm.s32 $0x300;
	s16 =	simm.s32 $0x6400;
	s17 =	simm.s32 $0x380  }
0x8: {  	s18 =	simm.s32 $0x7400;
	s28 =	simm.s32 $0x1;
	s29 =	simm.s32 $0x2  }
0x9: {  	s1 =	sand.u32 $0x1, s1;
	s4 =	smul.u32 $0xC800, s6;
	[smem:$0x7FF] =	sst s3  }
0xa: {  	s6 =	smul.u32 $0x32000, s6;
	_ =	strace $0x80000047;
	[dreg:$0x5] =	wrdreg s24  }
0xb: {  	s30 =	simm.s32 $0x0;
	s5 =	smul.u32 $0x6400, s1;
	[dreg:$0x6] =	wrdreg s25  }
0xc: {  	s19 =	smul.u32 $0x19000, s1;
	s1 =	ssub.s32 $0x2, s1;
	[dreg:$0x7] =	wrdreg s26  }
0xd: {  	[dreg:$0x8] =	wrdreg s31;
	s24 =	simm.s32 $0xD400;
	s25 =	simm.s32 $0xE400  }
0xe: {  	s26 =	simm.s32 $0xF400;
	s6 =	sadd.s32 s6, s0;
	s8 =	sshrl.u32 s1, $0x1  }
0xf: {  	s4 =	sadd.s32 s5, s4;
	s6 =	sadd.s32 s19, s6;
	s20 =	ssub.s32 s1, s8  }
0x10: {  	s8 =	simm.s32 $0x80;
	s19 =	simm.s32 $0x8400;
	s4 =	sshrl.u32 s4, $0x3  }
0x11: {  	s21 =	sadd.s32 $0x1A000, s6;
	s22 =	sadd.s32 $0x33A000, s6;
	s7 =	sadd.s32 s4, s0  }
0x12: {  	s4 =	sadd.s32 $0xF5C400, s0;
	s0 =	smax.u32 s20, $0x1;
	[dreg:$0x3] =	wrdreg s21  }
0x13: {  	[dreg:$0x4] =	wrdreg s22;
	s20 =	simm.s32 $0x9400;
	s21 =	simm.s32 $0xA400  }
0x14: {  	s22 =	simm.s32 $0xB400;
	[dreg:$0x9] =	wrdreg s0;
	s23 =	sadd.s32 $0x1000, s7  }
0x15: {  	s7 =	simm.s32 $0x3;
	[dreg:$0xa] =	wrdreg s23;
	s23 =	simm.s32 $0xC400  }
.LBB2_1:
0x16: {  	s1 =	rddreg [dreg:$0xa]  }
0x17: {  	[tilespmem:s3], [sflag:$0x3] =	stream.linear.gather [hbm4b:s1+s3], $0x400, $0x38;
	[tilespmem:$0x10400] =	vst v63  }
0x18: {  	_ =	swait.ge [sflag:s7], $0x400  }
0x19: {  	[sflag:s7] =	ssyncset.done $0x0  }
0x1a: {  	[sflag:s7] =	ssyncadd.s32 $0xFFFFFC00  }
0x1b: {  	[tilespmem:s9], [sflag:$0x1] =	stream.indirect.gather [hbm4b:s2+s8], $0x20, s3, s8, $0xb8;
	[tilespmem:$0x10400] =	vst v63  }
0x1c: {  	s0 =	rddreg [dreg:$0x5]  }
0x1d: {  	[tilespmem:s0], [sflag:$0x1] =	stream.indirect.gather [hbm4b:s2+s8], $0x20, s8, s8, $0xb8;
	[tilespmem:$0x10400] =	vst v63  }
0x1e: {  	s6 =	rddreg [dreg:$0x6]  }
0x1f: {  	[tilespmem:s6], [sflag:$0x1] =	stream.indirect.gather [hbm4b:s2+s8], $0x20, s10, s8, $0xb8;
	[tilespmem:$0x10400] =	vst v63  }
0x20: {  	s0 =	rddreg [dreg:$0x7]  }
0x21: {  	[tilespmem:s0], [sflag:$0x1] =	stream.indirect.gather [hbm4b:s2+s8], $0x20, s11, s8, $0xb8;
	[tilespmem:$0x10400] =	vst v63  }
0x22: {  	s5 =	rddreg [dreg:$0x8]  }
0x23: {  	[tilespmem:s5], [sflag:$0x1] =	stream.indirect.gather [hbm4b:s2+s8], $0x20, s12, s8, $0xb8;
	[tilespmem:$0x10400] =	vst v63  }
0x24: {  	_ = 	snop  }
0x25: {  	[tilespmem:s14], [sflag:$0x1] =	stream.indirect.gather [hbm4b:s2+s8], $0x20, s13, s8, $0xb8;
	[tilespmem:$0x10400] =	vst v63  }
0x26: {  	_ = 	snop  }
0x27: {  	[tilespmem:s16], [sflag:$0x1] =	stream.indirect.gather [hbm4b:s2+s8], $0x20, s15, s8, $0xb8;
	[tilespmem:$0x10400] =	vst v63  }
0x28: {  	_ = 	snop  }
0x29: {  	[tilespmem:s18], [sflag:$0x1] =	stream.indirect.gather [hbm4b:s2+s8], $0x20, s17, s8, $0xb8;
	[tilespmem:$0x10400] =	vst v63  }
0x2a: {  	_ = 	snop  }
0x2b: {  	[tilespmem:s19], [sflag:$0x2] =	stream.indirect.gather [hbm4b:s4+s8], $0x20, s3, s8, $0xb8;
	[tilespmem:$0x10400] =	vst v63  }
0x2c: {  	_ = 	snop  }
0x2d: {  	[tilespmem:s20], [sflag:$0x2] =	stream.indirect.gather [hbm4b:s4+s8], $0x20, s8, s8, $0xb8;
	[tilespmem:$0x10400] =	vst v63  }
0x2e: {  	_ = 	snop  }
0x2f: {  	[tilespmem:s21], [sflag:$0x2] =	stream.indirect.gather [hbm4b:s4+s8], $0x20, s10, s8, $0xb8;
	[tilespmem:$0x10400] =	vst v63  }
0x30: {  	_ = 	snop  }
0x31: {  	[tilespmem:s22], [sflag:$0x2] =	stream.indirect.gather [hbm4b:s4+s8], $0x20, s11, s8, $0xb8;
	[tilespmem:$0x10400] =	vst v63  }
0x32: {  	_ = 	snop  }
0x33: {  	[tilespmem:s23], [sflag:$0x2] =	stream.indirect.gather [hbm4b:s4+s8], $0x20, s12, s8, $0xb8;
	[tilespmem:$0x10400] =	vst v63  }
0x34: {  	_ = 	snop  }
0x35: {  	[tilespmem:s24], [sflag:$0x2] =	stream.indirect.gather [hbm4b:s4+s8], $0x20, s13, s8, $0xb8;
	[tilespmem:$0x10400] =	vst v63  }
0x36: {  	_ = 	snop  }
0x37: {  	[tilespmem:s25], [sflag:$0x2] =	stream.indirect.gather [hbm4b:s4+s8], $0x20, s15, s8, $0xb8;
	[tilespmem:$0x10400] =	vst v63  }
0x38: {  	_ = 	snop  }
0x39: {  	[tilespmem:s26], [sflag:$0x2] =	stream.indirect.gather [hbm4b:s4+s8], $0x20, s17, s8, $0xb8;
	[tilespmem:$0x10400] =	vst v63  }
0x3a: {  	_ =	swait.ge [sflag:s28], $0x1000  }
0x3b: {  	[sflag:s28] =	ssyncset.done $0x0  }
0x3c: {  	[sflag:s28] =	ssyncadd.s32 $0xFFFFF000  }
0x3d: {  	_ =	swait.ge [sflag:s28], $0x1000  }
0x3e: {  	[sflag:s28] =	ssyncset.done $0x0  }
0x3f: {  	[sflag:s28] =	ssyncadd.s32 $0xFFFFF000  }
0x40: {  	_ =	swait.ge [sflag:s28], $0x1000  }
0x41: {  	[sflag:s28] =	ssyncset.done $0x0  }
0x42: {  	[sflag:s28] =	ssyncadd.s32 $0xFFFFF000  }
0x43: {  	_ =	swait.ge [sflag:s28], $0x1000  }
0x44: {  	[sflag:s28] =	ssyncset.done $0x0  }
0x45: {  	[sflag:s28] =	ssyncadd.s32 $0xFFFFF000  }
0x46: {  	_ =	swait.ge [sflag:s28], $0x1000  }
0x47: {  	[sflag:s28] =	ssyncset.done $0x0  }
0x48: {  	[sflag:s28] =	ssyncadd.s32 $0xFFFFF000  }
0x49: {  	_ =	swait.ge [sflag:s28], $0x1000  }
0x4a: {  	[sflag:s28] =	ssyncset.done $0x0  }
0x4b: {  	[sflag:s28] =	ssyncadd.s32 $0xFFFFF000  }
0x4c: {  	_ =	swait.ge [sflag:s28], $0x1000  }
0x4d: {  	[sflag:s28] =	ssyncset.done $0x0  }
0x4e: {  	[sflag:s28] =	ssyncadd.s32 $0xFFFFF000  }
0x4f: {  	_ =	swait.ge [sflag:s28], $0x1000  }
0x50: {  	[sflag:s28] =	ssyncset.done $0x0  }
0x51: {  	[sflag:s28] =	ssyncadd.s32 $0xFFFFF000  }
0x52: {  	_ =	swait.ge [sflag:s29], $0x1000  }
0x53: {  	[sflag:s29] =	ssyncset.done $0x0  }
0x54: {  	[sflag:s29] =	ssyncadd.s32 $0xFFFFF000  }
0x55: {  	_ =	swait.ge [sflag:s29], $0x1000  }
0x56: {  	[sflag:s29] =	ssyncset.done $0x0  }
0x57: {  	[sflag:s29] =	ssyncadd.s32 $0xFFFFF000  }
0x58: {  	_ =	swait.ge [sflag:s29], $0x1000  }
0x59: {  	[sflag:s29] =	ssyncset.done $0x0  }
0x5a: {  	[sflag:s29] =	ssyncadd.s32 $0xFFFFF000  }
0x5b: {  	_ =	swait.ge [sflag:s29], $0x1000  }
0x5c: {  	[sflag:s29] =	ssyncset.done $0x0  }
0x5d: {  	[sflag:s29] =	ssyncadd.s32 $0xFFFFF000  }
0x5e: {  	_ =	swait.ge [sflag:s29], $0x1000  }
0x5f: {  	[sflag:s29] =	ssyncset.done $0x0  }
0x60: {  	[sflag:s29] =	ssyncadd.s32 $0xFFFFF000  }
0x61: {  	_ =	swait.ge [sflag:s29], $0x1000  }
0x62: {  	[sflag:s29] =	ssyncset.done $0x0  }
0x63: {  	[sflag:s29] =	ssyncadd.s32 $0xFFFFF000  }
0x64: {  	_ =	swait.ge [sflag:s29], $0x1000  }
0x65: {  	[sflag:s29] =	ssyncset.done $0x0  }
0x66: {  	[sflag:s29] =	ssyncadd.s32 $0xFFFFF000  }
0x67: {  	_ =	swait.ge [sflag:s29], $0x1000  }
0x68: {  	s5 =	rddreg [dreg:$0x4];
	[sflag:s29] =	ssyncset.done $0x0  }
0x69: {  	[sflag:s29] =	ssyncadd.s32 $0xFFFFF000;
	s0 =	sadd.s32 $0x0, s5  }
0x6a: {  	[hbm4b:s0+s3] =	stream.linear.scatter [tilespmem:s9], [sflag:$0x3], $0x8000, $0x38;
	[tilespmem:$0x10400] =	vst v63  }
0x6b: {  	_ =	swait.ge [sflag:s7], $0x8000  }
0x6c: {  	s6 =	rddreg [dreg:$0x3];
	[sflag:s7] =	ssyncset.done $0x0  }
0x6d: {  	[sflag:s7] =	ssyncadd.s32 $0xFFFF8000;
	s0 =	sadd.s32 $0x0, s6  }
0x6e: {  	[hbm4b:s0+s3] =	stream.linear.scatter [tilespmem:s19], [sflag:$0x3], $0x8000, $0x38;
	[tilespmem:$0x10400] =	vst v63  }
0x6f: {  	_ =	swait.ge [sflag:s7], $0x8000  }
0x70: {  	s31 =	simm.s32 $0x1000;
	s6 =	smov.u32 s1;
	[sflag:s7] =	ssyncset.done $0x0  }
.LBB2_2:
0x71: {  	[sflag:s7] =	ssyncadd.s32 $0xFFFF8000;
	s6 =	sadd.s32 $0x80, s6  }
0x72: {  	[tilespmem:s3], [sflag:$0x3] =	stream.linear.gather [hbm4b:s6+s3], $0x400, $0x38;
	[tilespmem:$0x10400] =	vst v63  }
0x73: {  	_ =	swait.ge [sflag:s7], $0x400  }
0x74: {  	[sflag:s7] =	ssyncset.done $0x0  }
0x75: {  	[sflag:s7] =	ssyncadd.s32 $0xFFFFFC00  }
0x76: {  	[tilespmem:s9], [sflag:$0x1] =	stream.indirect.gather [hbm4b:s2+s8], $0x20, s3, s8, $0xb8;
	[tilespmem:$0x10400] =	vst v63  }
0x77: {  	s5 =	rddreg [dreg:$0x5]  }
0x78: {  	[tilespmem:s5], [sflag:$0x1] =	stream.indirect.gather [hbm4b:s2+s8], $0x20, s8, s8, $0xb8;
	[tilespmem:$0x10400] =	vst v63  }
0x79: {  	s1 =	rddreg [dreg:$0x6]  }
0x7a: {  	[tilespmem:s1], [sflag:$0x1] =	stream.indirect.gather [hbm4b:s2+s8], $0x20, s10, s8, $0xb8;
	[tilespmem:$0x10400] =	vst v63  }
0x7b: {  	s5 =	rddreg [dreg:$0x7]  }
0x7c: {  	[tilespmem:s5], [sflag:$0x1] =	stream.indirect.gather [hbm4b:s2+s8], $0x20, s11, s8, $0xb8;
	[tilespmem:$0x10400] =	vst v63  }
0x7d: {  	s1 =	rddreg [dreg:$0x8]  }
0x7e: {  	[tilespmem:s1], [sflag:$0x1] =	stream.indirect.gather [hbm4b:s2+s8], $0x20, s12, s8, $0xb8;
	[tilespmem:$0x10400] =	vst v63  }
0x7f: {  	_ = 	snop  }
0x80: {  	[tilespmem:s14], [sflag:$0x1] =	stream.indirect.gather [hbm4b:s2+s8], $0x20, s13, s8, $0xb8;
	[tilespmem:$0x10400] =	vst v63  }
0x81: {  	_ = 	snop  }
0x82: {  	[tilespmem:s16], [sflag:$0x1] =	stream.indirect.gather [hbm4b:s2+s8], $0x20, s15, s8, $0xb8;
	[tilespmem:$0x10400] =	vst v63  }
0x83: {  	_ = 	snop  }
0x84: {  	[tilespmem:s18], [sflag:$0x1] =	stream.indirect.gather [hbm4b:s2+s8], $0x20, s17, s8, $0xb8;
	[tilespmem:$0x10400] =	vst v63  }
0x85: {  	_ = 	snop  }
0x86: {  	[tilespmem:s19], [sflag:$0x2] =	stream.indirect.gather [hbm4b:s4+s8], $0x20, s3, s8, $0xb8;
	[tilespmem:$0x10400] =	vst v63  }
0x87: {  	_ = 	snop  }
0x88: {  	[tilespmem:s20], [sflag:$0x2] =	stream.indirect.gather [hbm4b:s4+s8], $0x20, s8, s8, $0xb8;
	[tilespmem:$0x10400] =	vst v63  }
0x89: {  	_ = 	snop  }
0x8a: {  	[tilespmem:s21], [sflag:$0x2] =	stream.indirect.gather [hbm4b:s4+s8], $0x20, s10, s8, $0xb8;
	[tilespmem:$0x10400] =	vst v63  }
0x8b: {  	_ = 	snop  }
0x8c: {  	[tilespmem:s22], [sflag:$0x2] =	stream.indirect.gather [hbm4b:s4+s8], $0x20, s11, s8, $0xb8;
	[tilespmem:$0x10400] =	vst v63  }
0x8d: {  	_ = 	snop  }
0x8e: {  	[tilespmem:s23], [sflag:$0x2] =	stream.indirect.gather [hbm4b:s4+s8], $0x20, s12, s8, $0xb8;
	[tilespmem:$0x10400] =	vst v63  }
0x8f: {  	_ = 	snop  }
0x90: {  	[tilespmem:s24], [sflag:$0x2] =	stream.indirect.gather [hbm4b:s4+s8], $0x20, s13, s8, $0xb8;
	[tilespmem:$0x10400] =	vst v63  }
0x91: {  	_ = 	snop  }
0x92: {  	[tilespmem:s25], [sflag:$0x2] =	stream.indirect.gather [hbm4b:s4+s8], $0x20, s15, s8, $0xb8;
	[tilespmem:$0x10400] =	vst v63  }
0x93: {  	_ = 	snop  }
0x94: {  	[tilespmem:s26], [sflag:$0x2] =	stream.indirect.gather [hbm4b:s4+s8], $0x20, s17, s8, $0xb8;
	[tilespmem:$0x10400] =	vst v63  }
0x95: {  	_ =	swait.ge [sflag:s28], $0x1000  }
0x96: {  	[sflag:s28] =	ssyncset.done $0x0  }
0x97: {  	[sflag:s28] =	ssyncadd.s32 $0xFFFFF000  }
0x98: {  	_ =	swait.ge [sflag:s28], $0x1000  }
0x99: {  	[sflag:s28] =	ssyncset.done $0x0  }
0x9a: {  	[sflag:s28] =	ssyncadd.s32 $0xFFFFF000  }
0x9b: {  	_ =	swait.ge [sflag:s28], $0x1000  }
0x9c: {  	[sflag:s28] =	ssyncset.done $0x0  }
0x9d: {  	[sflag:s28] =	ssyncadd.s32 $0xFFFFF000  }
0x9e: {  	_ =	swait.ge [sflag:s28], $0x1000  }
0x9f: {  	[sflag:s28] =	ssyncset.done $0x0  }
0xa0: {  	[sflag:s28] =	ssyncadd.s32 $0xFFFFF000  }
0xa1: {  	_ =	swait.ge [sflag:s28], $0x1000  }
0xa2: {  	[sflag:s28] =	ssyncset.done $0x0  }
0xa3: {  	[sflag:s28] =	ssyncadd.s32 $0xFFFFF000  }
0xa4: {  	_ =	swait.ge [sflag:s28], $0x1000  }
0xa5: {  	[sflag:s28] =	ssyncset.done $0x0  }
0xa6: {  	[sflag:s28] =	ssyncadd.s32 $0xFFFFF000  }
0xa7: {  	_ =	swait.ge [sflag:s28], $0x1000  }
0xa8: {  	[sflag:s28] =	ssyncset.done $0x0  }
0xa9: {  	[sflag:s28] =	ssyncadd.s32 $0xFFFFF000  }
0xaa: {  	_ =	swait.ge [sflag:s28], $0x1000  }
0xab: {  	[sflag:s28] =	ssyncset.done $0x0  }
0xac: {  	[sflag:s28] =	ssyncadd.s32 $0xFFFFF000  }
0xad: {  	_ =	swait.ge [sflag:s29], $0x1000  }
0xae: {  	[sflag:s29] =	ssyncset.done $0x0  }
0xaf: {  	[sflag:s29] =	ssyncadd.s32 $0xFFFFF000  }
0xb0: {  	_ =	swait.ge [sflag:s29], $0x1000  }
0xb1: {  	[sflag:s29] =	ssyncset.done $0x0  }
0xb2: {  	[sflag:s29] =	ssyncadd.s32 $0xFFFFF000  }
0xb3: {  	_ =	swait.ge [sflag:s29], $0x1000  }
0xb4: {  	[sflag:s29] =	ssyncset.done $0x0  }
0xb5: {  	[sflag:s29] =	ssyncadd.s32 $0xFFFFF000  }
0xb6: {  	_ =	swait.ge [sflag:s29], $0x1000  }
0xb7: {  	[sflag:s29] =	ssyncset.done $0x0  }
0xb8: {  	[sflag:s29] =	ssyncadd.s32 $0xFFFFF000  }
0xb9: {  	_ =	swait.ge [sflag:s29], $0x1000  }
0xba: {  	[sflag:s29] =	ssyncset.done $0x0  }
0xbb: {  	[sflag:s29] =	ssyncadd.s32 $0xFFFFF000  }
0xbc: {  	_ =	swait.ge [sflag:s29], $0x1000  }
0xbd: {  	[sflag:s29] =	ssyncset.done $0x0  }
0xbe: {  	[sflag:s29] =	ssyncadd.s32 $0xFFFFF000  }
0xbf: {  	_ =	swait.ge [sflag:s29], $0x1000  }
0xc0: {  	[sflag:s29] =	ssyncset.done $0x0  }
0xc1: {  	[sflag:s29] =	ssyncadd.s32 $0xFFFFF000  }
0xc2: {  	_ =	swait.ge [sflag:s29], $0x1000  }
0xc3: {  	s0 =	smov.u32 s31;
	s5 =	rddreg [dreg:$0x4];
	[sflag:s29] =	ssyncset.done $0x0  }
0xc4: {  	[sflag:s29] =	ssyncadd.s32 $0xFFFFF000;
	s1 =	sadd.s32 s0, s5  }
0xc5: {  	[hbm4b:s1+s3] =	stream.linear.scatter [tilespmem:s9], [sflag:$0x3], $0x8000, $0x38;
	[tilespmem:$0x10400] =	vst v63  }
0xc6: {  	p0 =	sne.s32 s31, $0x18000;
	_ =	swait.ge [sflag:s7], $0x8000  }
.Ltmp0:
0xc7: {  	s5 =	rddreg [dreg:$0x3];
	[sflag:s7] =	ssyncset.done $0x0;
	(pc) =	sbr.rel @p0 .LBB2_2-.Ltmp0, $4  }
0xc8: {  	[sflag:s7] =	ssyncadd.s32 $0xFFFF8000;
	s0 =	sadd.s32 s0, s5  }
0xc9: {  	[hbm4b:s0+s3] =	stream.linear.scatter [tilespmem:s19], [sflag:$0x3], $0x8000, $0x38;
	[tilespmem:$0x10400] =	vst v63  }
0xca: {  	_ =	swait.ge [sflag:s7], $0x8000  }
0xcb: {  	s31 =	sadd.s32 $0x1000, s31;
	[sflag:s7] =	ssyncset.done $0x0  }
0xcc: {  	s30 =	sadd.s32 $0x1, s30;
	s0 =	rddreg [dreg:$0x9]  }
0xcd: {  	p0 =	sne.s32 s30, s0  }
.Ltmp1:
0xce: {  	_ = 	snop;
	(pc) =	sbr.rel @p0 .LBB2_1-.Ltmp1, $2  }
0xcf: {  	_ =	sdelay $0x2  }
0xd0: {  	[sflag:s7] =	ssyncadd.s32 $0xFFFF8000  }
0xd1: {  	_ =	sfence.sel $0x180000  }
0xd2: {  	[bflag:$0x0] =	sbarrier.arrive $0xFFFF  }
0xd3: {  	_ =	strace $0x90000047  }
0xd4: {  	s0 =	stileid.u32;
	[bflag:$0x2] =	sbarrier.arrive $0xFFFF  }
0xd5: {  	p0 =	sne.s32 s0, $0x0;
	s0 =	rddreg [dreg:$0x2]  }
0xd6: {  	s0 =	sadd.s32 @!p0 $0x100000, s0  }
0xd7: {  	[sflag:s0] =	ssyncadd.tile.s32 @!p0 $0x1;
	_ =	shalt  }
.Lfunc_end2:
_tile_overlayer_lowered:
.L_overlay_start_2:
0xd8: {  	(tag) =	ssettag $0x2  }
0xd9: {  	s0 =	rddreg [dreg:$0x0];
	s2 =	stileid.u32  }
0xda: {  	s1 =	rddreg [dreg:$0x1];
	p0 =	sne.s32 s2, $0x0  }
0xdb: {  	s3 =	rddreg [dreg:$0x2];
	[bflag:$0x3] =	sbarrier.arrive $0xFFFF;
	s2 =	simm.s32 @!p0 $0x1C03  }
0xdc: {  	[timem:s3], [sflag:s2] =	dma.local @!p0 [hbm:s0], s1  }
0xdd: {  	s0 =	simm.s32 @!p0 $0x3  }
0xde: {  	_ =	swait.ge @!p0 [sflag:s0], s1  }
0xdf: {  	s1 =	ssub.s32 @!p0 $0x0, s1;
	[sflag:s0] =	ssyncset.done @!p0 $0x0  }
0xe0: {  	[sflag:s0] =	ssyncadd.s32 @!p0 s1  }
0xe1: {  	[bflag:$0x3] =	sbarrier.arrive $0xFFFF  }
0xe2: {  	_ =	shalt  }

// kernel: sparse-core-data-format-call.1.cloned.1.call-start
scs
called_computation.1_lowered:
.L_overlay_start_0:
0x0: {  	s2 =	sld [smem:$0x3FD9]  }
0x1: {  	s3 =	sld [smem:$0x3FFE];
	_ =	sdelay $0x1  }
0x2: {  	s1 =	srdreg.scid  }
0x3: {  	s0 =	sand.u32 $0x1, s1  }
0x4: {  	s18 =	sshll.u32 s0, $0xA;
	s2 =	sadd.s32 s3, s2  }
0x5: {  	s2 =	sadd.s32 s2, s18  }
0x6: {  	[smem:$0x3FC5] =	sst s2  }
0x7: {  	_ = 	snop  }
0x8: {  	s19 =	sld [smem:$0x3FD0];
	(tm) =	ssettm $0x1  }
0x9: {  	s20 =	sld [smem:$0x3FFB];
	_ =	sdelay $0x3  }
0xa: {  	_ =	strace s20  }
0xb: {  	s2 =	sld [smem:$0x3FFC];
	_ =	sdelay $0x3  }
0xc: {  	_ =	strace s2  }
0xd: {  	s2 =	sld [smem:$0x3FFD];
	_ =	sdelay $0x3  }
0xe: {  	_ =	strace s2  }
0xf: {  	_ =	strace $0x8FFFFFFF  }
0x10: {  	s21 =	sld [smem:$0x3FDB];
	_ =	sdelay $0x1  }
0x11: {  	s4 =	simm.s32 $_scs_section_size  }
0x12: {  	s5 =	simm.s32 $_size__tile_overlayer_lowered;
	s6 =	simm.s32 $_tile_overlayer_lowered  }
0x13: {  	s7 =	simm.s32 $0x1BFF;
	s22 =	sshll.u32 s6, $0x1;
	s4 =	sadd.s32 s4, s21  }
0x14: {  	s23 =	simm.s32 $0x0;
	s5 =	sshll.u32 s5, $0x1;
	s6 =	sadd.s32 s22, s4  }
0x15: {  	[timem:s23], [sflag:s7] =	dma.local [hbm:s6], s5  }
0x16: {  	_ =	swait.ge [sflag:s7], s5  }
0x17: {  	s5 =	ssub.s32 $0x0, s5;
	[sflag:s7] =	ssyncset.done $0x0  }
0x18: {  	[sflag:s7] =	ssyncadd.s32 s5;
	_ =	sdelay $0x1  }
0x19: {  	s24 =	simm.s32 $0x1B8B  }
0x1a: {  	_ =	swait.ge [sflag:s24], $0x1  }
0x1b: {  	[sflag:s24] =	ssyncset.done $0x0  }
0x1c: {  	[sflag:s24] =	ssyncadd.s32 $0xFFFFFFFF  }
0x1d: {  	s5 =	sld [smem:$0x0]  }
0x1e: {  	s6 =	sand.u32 $0xFFFFFFFE, s1  }
0x1f: {  	p0 =	sne.s32 s1, s6  }
0x20: {  	s6 =	sshll.u32 @p0 s6, $0xE  }
0x21: {  	s6 =	sadd.s32 @p0 $0x11B8D, s6;
	s7 =	sshll.u32 @p0 s5, $0x11  }
0x22: {  	s6 =	sor.u32 @p0 s7, s6  }
0x23: {  	[sflag:s6] =	ssyncadd.remote.s32 @p0 $0x1;
	_ =	sdelay $0x1  }
0x24: {  	s6 =	simm.s32 @p0 $0x1B8D  }
0x25: {  	_ =	swait.eq @p0 [sflag:s6], $0x1  }
0x26: {  	[sflag:s6] =	ssyncadd.s32 @p0 $0xFFFFFFFF  }
0x27: {  	s7 =	sshll.u32 @!p0 s1, $0xE  }
0x28: {  	s7 =	sor.u32 @!p0 $0x4000, s7;
	s6 =	simm.s32 @!p0 $0x1B8D  }
0x29: {  	s5 =	sshll.u32 @!p0 s5, $0x11;
	s7 =	sadd.s32 @!p0 $0x11B8D, s7;
	_ =	swait.eq @!p0 [sflag:s6], $0x1  }
0x2a: {  	s5 =	sor.u32 @!p0 s5, s7;
	[sflag:s6] =	ssyncadd.s32 @!p0 $0xFFFFFFFF  }
0x2b: {  	s26 =	simm.s32 $0x1B8E;
	s25 =	sld [smem:$0x3FFE];
	[sflag:s5] =	ssyncadd.remote.s32 @!p0 $0x1  }
0x2c: {  	s27 =	simm.s32 $execute0_lowered;
	[smem:$0x3FD2] =	sst s26  }
0x2d: {  	s6 =	sshll.u32 s27, $0x1;
	_ =	strace $0x8000004C;
	[dreg:$0x1] =	wrdreg $0xFFFFFFFF  }
0x2e: {  	s28 =	simm.s32 $_size_execute0_lowered;
	s4 =	sadd.s32 s4, s6;
	[dreg:$0x0] =	wrdreg $0x0  }
0x2f: {  	s6 =	sshll.u32 s28, $0x1;
	[dreg:$0x2] =	wrdreg s4  }
0x30: {  	[dreg:$0x3] =	wrdreg s6  }
0x31: {  	[dreg:$0x4] =	wrdreg $0xC0  }
0x32: {  	_ =	task [dreg:s23], $0x5FFFF  }
0x33: {  	[dreg:$0x1] =	wrdreg $0xFFFFFFFF  }
0x34: {  	[dreg:$0x0] =	wrdreg $0x60  }
0x35: {  	[dreg:$0x2] =	wrdreg s25  }
0x36: {  	[dreg:$0x3] =	wrdreg s19  }
0x37: {  	[dreg:$0x4] =	wrdreg $0xA  }
0x38: {  	_ =	task.clear_ibuf [dreg:s23], $0x5FFFF;
	_ =	strace $0x9000004C  }
0x39: {  	s29 =	simm.s32 $0xA;
	_ =	strace $0x8000004E  }
0x3a: {  	_ =	swait.ge [sflag:s29], $0x1  }
0x3b: {  	[sflag:s29] =	ssyncadd.s32 $0xFFFFFFFF  }
0x3c: {  	_ =	strace $0x9000004E  }
0x3d: {  	_ =	sfence  }
0x3e: {  	s30 =	sld [smem:$0x0];
	_ =	sdelay $0x2  }
0x3f: {  	s31 =	sshll.u32 s1, $0xD;
	s1 =	sshrl.u32 s1, $0x2  }
0x40: {  	s4 =	sand.u32 $0x4000, s31;
	s1 =	sadd.s32 s1, s30  }
0x41: {  	s0 =	sor.u32 s4, s0;
	s1 =	sshll.u32 s1, $0x11  }
0x42: {  	s0 =	sor.u32 s1, s0  }
0x43: {  	s0 =	sadd.s32 $0x8F2B, s0  }
0x44: {  	[sflag:s0] =	ssyncadd.remote.s32 $0x1  }
0x45: {  	_ =	sfence.sel $0xFFFF  }
0x46: {  	[dreg:$0x0] =	wrdreg $0xFFFFFFFF;
	(pc) =	sbr.abs _section_cstart, $3  }
0x47: {  	[dreg:$0x1] =	wrdreg $0xFFFFFFFF  }
0x48: {  	_ =	task.clear_ibuf [dreg:s23], $0x2FFFF;
	_ =	strace $0x9FFFFFFF  }
0x49: {  	(tm) =	ssettm $0x7FFFFFFF  }
tec
execute0_lowered:
.L_overlay_start_1:
0x0: {  	(tag) =	ssettag $0x1  }
0x1: {  	s0 =	srdreg.scid  }
0x2: {  	s1 =	sshll.u32 s0, $0x4  }
0x3: {  	s4 =	rddreg [dreg:$0x0];
	s0 =	stileid.u32;
	s1 =	sand.u32 $0x10, s1  }
0x4: {  	s2 =	rddreg [dreg:$0x1];
	s7 =	simm.s32 $0x1;
	s1 =	sor.u32 s0, s1  }
0x5: {  	s8 =	simm.s32 $0x2;
	s11 =	simm.s32 $0x0;
	s3 =	sshll.u32 s1, $0x7  }
0x6: {  	s10 =	simm.s32 $0x0;
	s4 =	sadd.s32 $0x12DA000, s4;
	s6 =	ssub.s32 $0xC8000, s3  }
.Ltmp0:
0x7: {  	s1 =	rddreg [dreg:$0x2];
	s5 =	sand.u32 $0xF80, s6;
	(pc) =	sbr.rel .LBB1_1-.Ltmp0, $4  }
0x8: {  	_ =	strace $0x8000004D;
	s9 =	smov.u32 s3;
	p0 =	sne.s32 s5, $0x0  }
0x9: {  	s6 =	sshrl.u32 s6, $0xC;
	s5 =	simm.s32 $0x1;
	s7 =	simm.s32 @!p0 $0x0  }
0xa: {  	[sflag:s5] =	ssyncpa.u1 $0x0;
	p0 =	por $0x0, $0x0;
	s6 =	sadd.s32 s7, s6  }
0xb: {  	[sflag:s8] =	ssyncpa.u1 $0x0;
	s8 =	simm.s32 $0x640000;
	s7 =	sadd.s32 $0x1, s6  }
.LBB1_4:
0xc: {  	s14 =	sshll.u32 s11, $0x3  }
0xd: {  	s30 =	sand.u32 $0x7F, s11;
	s15 =	sand.u32 $0xFFFFFC00, s14  }
0xe: {  	s11 =	sor.u32 s30, s15  }
0xf: {  	s15 =	smulhi.u32 $0x51EB851F, s11  }
0x10: {  	s14 =	smulhi.u32 $0x51EB851F, s14  }
0x11: {  	s15 =	sshrl.u32 s15, $0x12  }
0x12: {  	s14 =	sshrl.u32 s14, $0x12;
	s15 =	smul.u32 $0xC8000, s15  }
0x13: {  	s14 =	sand.u32 $0x1F, s14  }
0x14: {  	s14 =	smul.u32 $0x19000, s14;
	s11 =	ssub.s32 s11, s15  }
0x15: {  	s15 =	sand.u32 $0x7, s11  }
0x16: {  	s14 =	sadd.s32 s2, s14;
	s11 =	sshrl.u32 s11, $0x3;
	s15 =	sshll.u32 s15, $0x12  }
0x17: {  	[tilespmem:s13+$0x0 ss:$0x81] =	vst.msk $0xffff, v0;
	s11 =	sadd.s32 s11, s14;
	s31 =	sor.u32 $0x400, s15  }
0x18: {  	[hbm4b:s11+s31] =	stream.strided.scatter [tilespmem:s12], [sflag:$0x2], $0x1000, s8, s31, $0x20;
	[tilespmem:$0x4040] =	vst v63  }
.LBB1_5:
0x19: {  	s13 =	sadd.s32 $0x1000, s9  }
0x1a: {  	p2 =	sgt.s32 s13, $0xC7FFF  }
0x1b: {  	s13 =	smov.u32 @p2 s3;
	p2 =	sne.s32 s10, s7  }
.Ltmp1:
0x1c: {  	p1 =	slt.u32 s10, $0x2;
	(pc) =	sbr.rel @!p2 .LBB1_6-.Ltmp1, $4  }
0x1d: {  	s12 =	simm.s32 @!p1 $0x2  }
0x1e: {  	s14 =	sadd.s32 $0x1, s10;
	_ =	swait.ge @!p1 [sflag:s12], $0x1000  }
0x1f: {  	s11 =	smov.u32 s9;
	p0 =	por !p0, !p0;
	[sflag:s12] =	ssyncset.done @!p1 $0x0  }
0x20: {  	s10 =	smov.u32 s14;
	s9 =	smov.u32 s13;
	[sflag:s12] =	ssyncadd.s32 @!p1 $0xFFFFF000  }
.LBB1_1:
0x21: {  	p1 =	sge.u32 s10, s6  }
0x22: {  	s12 =	sand.u32 @!p1 $0x1FFFFFF, s9  }
0x23: {  	s13 =	smulhi.u32 @!p1 $0x147AE15, s12;
	_ =	sdelay $0x1  }
0x24: {  	s13 =	sshrl.u32 @!p1 s13, $0xC  }
0x25: {  	s13 =	smul.u32 @!p1 $0xC8000, s13;
	_ =	sdelay $0x1  }
0x26: {  	s31 =	sadd.s32 $0xFFFFFFFF, s10;
	s14 =	sxor.u32 @!p1 $0xFFFFFFFF, s10;
	s12 =	ssub.s32 @!p1 s12, s13  }
0x27: {  	s15 =	simm.s32 @!p1 $0x80;
	s14 =	sshll.u32 @!p1 s14, $0xC;
	s12 =	sshll.u32 @!p1 s12, $0x4  }
0x28: {  	s13 =	sand.u32 @!p1 $0x1000, s14;
	s14 =	simm.s32 @!p1 $0x20;
	s12 =	sadd.s32 @!p1 s4, s12  }
0x29: {  	[tilespmem:s13], [sflag:$0x1] =	stream.strided.gather @!p1 [hbm4b:s12+s14], $0x1000, s15, s14, $0x38;
	[tilespmem:$0x4040] =	vst v63  }
0x2a: {  	p1 =	sge.u32 s31, s6  }
.Ltmp2:
0x2b: {  	_ = 	snop;
	(pc) =	sbr.rel @p1 .LBB1_5-.Ltmp2, $1  }
0x2c: {  	_ =	sdelay $0x3  }
0x2d: {  	s12 =	simm.s32 $0x1  }
0x2e: {  	_ =	swait.ge [sflag:s5], $0x1000;
	s12 =	simm.s32 @!p0 $0x0  }
0x2f: {  	[sflag:s5] =	ssyncset.done $0x0;
	s13 =	sshll.u32 s12, $0xC  }
0x30: {  	[sflag:s5] =	ssyncadd.s32 $0xFFFFF000;
	s16 =	sor.u32 $0x10, s13  }
0x31: {  	s12 =	smul.u32 $0x4080, s12;
	v1 =	vld [tilespmem:s16+$0x0]  }
0x32: {  	s30 =	sand.u32 $0x1, s10;
	v0 =	vld [tilespmem:s16+$0xFFFFFFF0]  }
0x33: {  	s13 =	smul.u32 $0x4080, s30;
	s12 =	sshrl.u32 s12, $0x2  }
0x34: {  	s14 =	sor.u32 $0x2000, s12  }
0x35: {  	s31 =	sshrl.u32 s13, $0x2;
	s13 =	sadd.s32 $0x0, s14  }
0x36: {  	s15 =	simm.s32 $0x4;
	s16 =	sadd.s32 $0x20, s16;
	s12 =	sor.u32 $0x2000, s31;
	[tilespmem:s13+$0x810 ss:$0x81] =	vst.msk $0xffff, v1  }
.LBB1_3:
0x37: {  	v1 =	vld [tilespmem:s16+$0x0];
	p1 =	sne.s32 s15, $0x1FC;
	[tilespmem:s13+$0x0 ss:$0x81] =	vst.msk $0xffff, v0;
	s13 =	smov.u32 s15;
	s15 =	sadd.s32 $0x4, s15  }
.Ltmp3:
0x38: {  	v0 =	vld [tilespmem:s16+$0xFFFFFFF0];
	(pc) =	sbr.rel @p1 .LBB1_3-.Ltmp3, $4  }
0x39: {  	_ = 	snop  }
0x3a: {  	s13 =	sshra.s32 s13, $0x2  }
0x3b: {  	s13 =	sadd.s32 s13, s14  }
0x3c: {  	s16 =	sadd.s32 $0x20, s16;
	[tilespmem:s13+$0x810 ss:$0x81] =	vst.msk $0xffff, v1  }
.Ltmp4:
0x3d: {  	_ = 	snop;
	(pc) =	sbr.rel .LBB1_4-.Ltmp4, $1  }
0x3e: {  	_ =	sdelay $0x3  }
.LBB1_6:
0x3f: {  	_ =	sfence.sel $0x180000  }
0x40: {  	s2 =	simm.s32 $0x1;
	[bflag:$0x0] =	sbarrier.arrive $0xFFFF  }
0x41: {  	s31 =	simm.s32 $0x2;
	[sflag:s2] =	ssyncpa.u1 $0x1  }
0x42: {  	[sflag:s31] =	ssyncpa.u1 $0x1  }
0x43: {  	p0 =	sne.s32 s0, $0x0;
	_ =	strace $0x9000004D  }
0x44: {  	s0 =	sadd.s32 @!p0 $0x100000, s1;
	[bflag:$0x2] =	sbarrier.arrive $0xFFFF  }
0x45: {  	[sflag:s0] =	ssyncadd.tile.s32 @!p0 $0x1;
	_ =	shalt  }
.Lfunc_end1:
_tile_overlayer_lowered:
.L_overlay_start_2:
0x46: {  	(tag) =	ssettag $0x2  }
0x47: {  	s0 =	rddreg [dreg:$0x0];
	s2 =	stileid.u32  }
0x48: {  	s1 =	rddreg [dreg:$0x1];
	p0 =	sne.s32 s2, $0x0  }
0x49: {  	s3 =	rddreg [dreg:$0x2];
	[bflag:$0x3] =	sbarrier.arrive $0xFFFF;
	s2 =	simm.s32 @!p0 $0x1C01  }
0x4a: {  	[timem:s3], [sflag:s2] =	dma.local @!p0 [hbm:s0], s1  }
0x4b: {  	s0 =	simm.s32 @!p0 $0x1  }
0x4c: {  	_ =	swait.ge @!p0 [sflag:s0], s1  }
0x4d: {  	s1 =	ssub.s32 @!p0 $0x0, s1;
	[sflag:s0] =	ssyncset.done @!p0 $0x0  }
0x4e: {  	[sflag:s0] =	ssyncadd.s32 @!p0 s1  }
0x4f: {  	[bflag:$0x3] =	sbarrier.arrive $0xFFFF  }
0x50: {  	_ =	shalt  }

// kernel: sparse-core-data-format-call.cloned.1.call-start
scs
called_computation_lowered:
.L_overlay_start_0:
0x0: {  	s1 =	sld [smem:$0x3FD9]  }
0x1: {  	s2 =	sld [smem:$0x3FFE];
	_ =	sdelay $0x1  }
0x2: {  	s3 =	srdreg.scid  }
0x3: {  	s0 =	sand.u32 $0x1, s3  }
0x4: {  	s17 =	sshll.u32 s0, $0xA;
	s1 =	sadd.s32 s2, s1  }
0x5: {  	s1 =	sadd.s32 s1, s17  }
0x6: {  	[smem:$0x3FC5] =	sst s1  }
0x7: {  	_ = 	snop  }
0x8: {  	(tm) =	ssettm $0x1  }
0x9: {  	s18 =	sld [smem:$0x3FFB];
	_ =	sdelay $0x3  }
0xa: {  	_ =	strace s18  }
0xb: {  	s1 =	sld [smem:$0x3FFC];
	_ =	sdelay $0x3  }
0xc: {  	_ =	strace s1  }
0xd: {  	s1 =	sld [smem:$0x3FFD];
	_ =	sdelay $0x3  }
0xe: {  	_ =	strace s1  }
0xf: {  	_ =	strace $0x8FFFFFFF  }
0x10: {  	s19 =	sld [smem:$0x3FDB];
	_ =	sdelay $0x1  }
0x11: {  	s20 =	simm.s32 $_scs_section_size  }
0x12: {  	s4 =	simm.s32 $_size__tile_overlayer_lowered;
	s5 =	simm.s32 $_tile_overlayer_lowered  }
0x13: {  	s23 =	simm.s32 $0x1BFF;
	s22 =	sshll.u32 s5, $0x1;
	s1 =	sadd.s32 s20, s19  }
0x14: {  	s6 =	simm.s32 $0x0;
	s21 =	sshll.u32 s4, $0x1;
	s4 =	sadd.s32 s22, s1  }
0x15: {  	[timem:s6], [sflag:s23] =	dma.local [hbm:s4], s21  }
0x16: {  	_ =	swait.ge [sflag:s23], s21  }
0x17: {  	s2 =	ssub.s32 $0x0, s21;
	[sflag:s23] =	ssyncset.done $0x0  }
0x18: {  	[sflag:s23] =	ssyncadd.s32 s2;
	_ =	sdelay $0x1  }
0x19: {  	s24 =	simm.s32 $0x1B8B  }
0x1a: {  	_ =	swait.ge [sflag:s24], $0x1  }
0x1b: {  	[sflag:s24] =	ssyncset.done $0x0  }
0x1c: {  	s26 =	simm.s32 $0x1B8E;
	s25 =	sld [smem:$0x3FFE];
	[sflag:s24] =	ssyncadd.s32 $0xFFFFFFFF  }
0x1d: {  	s27 =	simm.s32 $execute0_lowered;
	[smem:$0x3FD2] =	sst s26  }
0x1e: {  	s4 =	sshll.u32 s27, $0x1;
	_ =	strace $0x80000049;
	[dreg:$0x1] =	wrdreg $0xFFFFFFFF  }
0x1f: {  	s28 =	simm.s32 $_size_execute0_lowered;
	s1 =	sadd.s32 s1, s4;
	[dreg:$0x0] =	wrdreg $0x0  }
0x20: {  	s4 =	sshll.u32 s28, $0x1;
	[dreg:$0x2] =	wrdreg s1  }
0x21: {  	[dreg:$0x3] =	wrdreg s4  }
0x22: {  	[dreg:$0x4] =	wrdreg $0xC0  }
0x23: {  	_ =	task [dreg:s6], $0x5FFFF  }
0x24: {  	[dreg:$0x1] =	wrdreg $0xFFFFFFFF  }
0x25: {  	[dreg:$0x0] =	wrdreg $0x60  }
0x26: {  	[dreg:$0x2] =	wrdreg s25  }
0x27: {  	[dreg:$0x3] =	wrdreg $0x9  }
0x28: {  	_ =	task.clear_ibuf [dreg:s6], $0x4FFFF;
	_ =	strace $0x90000049  }
0x29: {  	s29 =	simm.s32 $0x9;
	_ =	strace $0x8000004B  }
0x2a: {  	_ =	swait.ge [sflag:s29], $0x1  }
0x2b: {  	[sflag:s29] =	ssyncadd.s32 $0xFFFFFFFF  }
0x2c: {  	_ =	strace $0x9000004B  }
0x2d: {  	_ =	sfence  }
0x2e: {  	s30 =	sld [smem:$0x0];
	_ =	sdelay $0x2  }
0x2f: {  	s31 =	sshll.u32 s3, $0xD;
	s3 =	sshrl.u32 s3, $0x2  }
0x30: {  	s2 =	sand.u32 $0x4000, s31;
	s1 =	sadd.s32 s3, s30  }
0x31: {  	s0 =	sor.u32 s2, s0;
	s1 =	sshll.u32 s1, $0x11  }
0x32: {  	s0 =	sor.u32 s1, s0  }
0x33: {  	s0 =	sadd.s32 $0x8F2B, s0  }
0x34: {  	[sflag:s0] =	ssyncadd.remote.s32 $0x1  }
0x35: {  	_ =	sfence.sel $0xFFFF  }
0x36: {  	[dreg:$0x0] =	wrdreg $0xFFFFFFFF;
	(pc) =	sbr.abs _section_cstart, $3  }
0x37: {  	[dreg:$0x1] =	wrdreg $0xFFFFFFFF  }
0x38: {  	_ =	task.clear_ibuf [dreg:s6], $0x2FFFF;
	_ =	strace $0x9FFFFFFF  }
0x39: {  	(tm) =	ssettm $0x7FFFFFFF  }
tec
execute0_lowered:
.L_overlay_start_1:
0x0: {  	(tag) =	ssettag $0x1  }
0x1: {  	s0 =	srdreg.scid  }
0x2: {  	s1 =	sshll.u32 s0, $0x4  }
0x3: {  	s4 =	rddreg [dreg:$0x0];
	s0 =	stileid.u32;
	s1 =	sand.u32 $0x10, s1  }
0x4: {  	s7 =	simm.s32 $0x1;
	s8 =	simm.s32 $0x2;
	s1 =	sor.u32 s0, s1  }
0x5: {  	s11 =	simm.s32 $0x0;
	s10 =	simm.s32 $0x0;
	s2 =	sshll.u32 s1, $0x7  }
0x6: {  	s3 =	sadd.s32 $0x65A000, s4;
	s4 =	sadd.s32 $0x1000, s4;
	s6 =	ssub.s32 $0xC8000, s2  }
.Ltmp0:
0x7: {  	s1 =	rddreg [dreg:$0x1];
	s5 =	sand.u32 $0xF80, s6;
	(pc) =	sbr.rel .LBB1_1-.Ltmp0, $4  }
0x8: {  	_ =	strace $0x8000004A;
	s9 =	smov.u32 s2;
	p0 =	sne.s32 s5, $0x0  }
0x9: {  	s6 =	sshrl.u32 s6, $0xC;
	s5 =	simm.s32 $0x1;
	s7 =	simm.s32 @!p0 $0x0  }
0xa: {  	[sflag:s5] =	ssyncpa.u1 $0x0;
	p0 =	por $0x0, $0x0;
	s6 =	sadd.s32 s7, s6  }
0xb: {  	[sflag:s8] =	ssyncpa.u1 $0x0;
	s8 =	simm.s32 $0x640000;
	s7 =	sadd.s32 $0x1, s6  }
.LBB1_4:
0xc: {  	s14 =	sshll.u32 s11, $0x3  }
0xd: {  	s30 =	sand.u32 $0x7F, s11;
	s15 =	sand.u32 $0xFFFFFC00, s14  }
0xe: {  	s11 =	sor.u32 s30, s15  }
0xf: {  	s15 =	smulhi.u32 $0x51EB851F, s11  }
0x10: {  	s14 =	smulhi.u32 $0x51EB851F, s14  }
0x11: {  	s15 =	sshrl.u32 s15, $0x12  }
0x12: {  	s14 =	sshrl.u32 s14, $0x12;
	s15 =	smul.u32 $0xC8000, s15  }
0x13: {  	s14 =	sand.u32 $0x1F, s14  }
0x14: {  	s14 =	smul.u32 $0x19000, s14;
	s11 =	ssub.s32 s11, s15  }
0x15: {  	s15 =	sand.u32 $0x7, s11  }
0x16: {  	s14 =	sadd.s32 s4, s14;
	s11 =	sshrl.u32 s11, $0x3;
	s15 =	sshll.u32 s15, $0x12  }
0x17: {  	[tilespmem:s13+$0x0 ss:$0x81] =	vst.msk $0xffff, v0;
	s11 =	sadd.s32 s11, s14;
	s31 =	sor.u32 $0x400, s15  }
0x18: {  	[hbm4b:s11+s31] =	stream.strided.scatter [tilespmem:s12], [sflag:$0x2], $0x1000, s8, s31, $0x20;
	[tilespmem:$0x4040] =	vst v63  }
.LBB1_5:
0x19: {  	s13 =	sadd.s32 $0x1000, s9  }
0x1a: {  	p2 =	sgt.s32 s13, $0xC7FFF  }
0x1b: {  	s13 =	smov.u32 @p2 s2;
	p2 =	sne.s32 s10, s7  }
.Ltmp1:
0x1c: {  	p1 =	slt.u32 s10, $0x2;
	(pc) =	sbr.rel @!p2 .LBB1_6-.Ltmp1, $4  }
0x1d: {  	s12 =	simm.s32 @!p1 $0x2  }
0x1e: {  	s14 =	sadd.s32 $0x1, s10;
	_ =	swait.ge @!p1 [sflag:s12], $0x1000  }
0x1f: {  	s11 =	smov.u32 s9;
	p0 =	por !p0, !p0;
	[sflag:s12] =	ssyncset.done @!p1 $0x0  }
0x20: {  	s10 =	smov.u32 s14;
	s9 =	smov.u32 s13;
	[sflag:s12] =	ssyncadd.s32 @!p1 $0xFFFFF000  }
.LBB1_1:
0x21: {  	p1 =	sge.u32 s10, s6  }
0x22: {  	s12 =	sand.u32 @!p1 $0x1FFFFFF, s9  }
0x23: {  	s13 =	smulhi.u32 @!p1 $0x147AE15, s12;
	_ =	sdelay $0x1  }
0x24: {  	s13 =	sshrl.u32 @!p1 s13, $0xC  }
0x25: {  	s13 =	smul.u32 @!p1 $0xC8000, s13;
	_ =	sdelay $0x1  }
0x26: {  	s31 =	sadd.s32 $0xFFFFFFFF, s10;
	s14 =	sxor.u32 @!p1 $0xFFFFFFFF, s10;
	s12 =	ssub.s32 @!p1 s12, s13  }
0x27: {  	s15 =	simm.s32 @!p1 $0x80;
	s14 =	sshll.u32 @!p1 s14, $0xC;
	s12 =	sshll.u32 @!p1 s12, $0x4  }
0x28: {  	s13 =	sand.u32 @!p1 $0x1000, s14;
	s14 =	simm.s32 @!p1 $0x20;
	s12 =	sadd.s32 @!p1 s3, s12  }
0x29: {  	[tilespmem:s13], [sflag:$0x1] =	stream.strided.gather @!p1 [hbm4b:s12+s14], $0x1000, s15, s14, $0x38;
	[tilespmem:$0x4040] =	vst v63  }
0x2a: {  	p1 =	sge.u32 s31, s6  }
.Ltmp2:
0x2b: {  	_ = 	snop;
	(pc) =	sbr.rel @p1 .LBB1_5-.Ltmp2, $1  }
0x2c: {  	_ =	sdelay $0x3  }
0x2d: {  	s12 =	simm.s32 $0x1  }
0x2e: {  	_ =	swait.ge [sflag:s5], $0x1000;
	s12 =	simm.s32 @!p0 $0x0  }
0x2f: {  	[sflag:s5] =	ssyncset.done $0x0;
	s13 =	sshll.u32 s12, $0xC  }
0x30: {  	[sflag:s5] =	ssyncadd.s32 $0xFFFFF000;
	s16 =	sor.u32 $0x10, s13  }
0x31: {  	s12 =	smul.u32 $0x4080, s12;
	v1 =	vld [tilespmem:s16+$0x0]  }
0x32: {  	s30 =	sand.u32 $0x1, s10;
	v0 =	vld [tilespmem:s16+$0xFFFFFFF0]  }
0x33: {  	s13 =	smul.u32 $0x4080, s30;
	s12 =	sshrl.u32 s12, $0x2  }
0x34: {  	s14 =	sor.u32 $0x2000, s12  }
0x35: {  	s31 =	sshrl.u32 s13, $0x2;
	s13 =	sadd.s32 $0x0, s14  }
0x36: {  	s15 =	simm.s32 $0x4;
	s16 =	sadd.s32 $0x20, s16;
	s12 =	sor.u32 $0x2000, s31;
	[tilespmem:s13+$0x810 ss:$0x81] =	vst.msk $0xffff, v1  }
.LBB1_3:
0x37: {  	v1 =	vld [tilespmem:s16+$0x0];
	p1 =	sne.s32 s15, $0x1FC;
	[tilespmem:s13+$0x0 ss:$0x81] =	vst.msk $0xffff, v0;
	s13 =	smov.u32 s15;
	s15 =	sadd.s32 $0x4, s15  }
.Ltmp3:
0x38: {  	v0 =	vld [tilespmem:s16+$0xFFFFFFF0];
	(pc) =	sbr.rel @p1 .LBB1_3-.Ltmp3, $4  }
0x39: {  	_ = 	snop  }
0x3a: {  	s13 =	sshra.s32 s13, $0x2  }
0x3b: {  	s13 =	sadd.s32 s13, s14  }
0x3c: {  	s16 =	sadd.s32 $0x20, s16;
	[tilespmem:s13+$0x810 ss:$0x81] =	vst.msk $0xffff, v1  }
.Ltmp4:
0x3d: {  	_ = 	snop;
	(pc) =	sbr.rel .LBB1_4-.Ltmp4, $1  }
0x3e: {  	_ =	sdelay $0x3  }
.LBB1_6:
0x3f: {  	_ =	sfence.sel $0x180000  }
0x40: {  	s2 =	simm.s32 $0x1;
	[bflag:$0x0] =	sbarrier.arrive $0xFFFF  }
0x41: {  	s31 =	simm.s32 $0x2;
	[sflag:s2] =	ssyncpa.u1 $0x1  }
0x42: {  	[sflag:s31] =	ssyncpa.u1 $0x1  }
0x43: {  	p0 =	sne.s32 s0, $0x0;
	_ =	strace $0x9000004A  }
0x44: {  	s0 =	sadd.s32 @!p0 $0x100000, s1;
	[bflag:$0x2] =	sbarrier.arrive $0xFFFF  }
0x45: {  	[sflag:s0] =	ssyncadd.tile.s32 @!p0 $0x1;
	_ =	shalt  }
.Lfunc_end1:
_tile_overlayer_lowered:
.L_overlay_start_2:
0x46: {  	(tag) =	ssettag $0x2  }
0x47: {  	s0 =	rddreg [dreg:$0x0];
	s2 =	stileid.u32  }
0x48: {  	s1 =	rddreg [dreg:$0x1];
	p0 =	sne.s32 s2, $0x0  }
0x49: {  	s3 =	rddreg [dreg:$0x2];
	[bflag:$0x3] =	sbarrier.arrive $0xFFFF;
	s2 =	simm.s32 @!p0 $0x1C01  }
0x4a: {  	[timem:s3], [sflag:s2] =	dma.local @!p0 [hbm:s0], s1  }
0x4b: {  	s0 =	simm.s32 @!p0 $0x1  }
0x4c: {  	_ =	swait.ge @!p0 [sflag:s0], s1  }
0x4d: {  	s1 =	ssub.s32 @!p0 $0x0, s1;
	[sflag:s0] =	ssyncset.done @!p0 $0x0  }
0x4e: {  	[sflag:s0] =	ssyncadd.s32 @!p0 s1  }
0x4f: {  	[bflag:$0x3] =	sbarrier.arrive $0xFFFF  }
0x50: {  	_ =	shalt  }

</sc_bundles>
